<compile_context>
chip_gen: v7x
topology: tpu7x:2x2x1
jax: 0.10.2.dev20260603
libtpu: 0.0.44.dev20260713+nightly
codegen_flags: <defaults>
</compile_context>

<pallas_src>
import functools

import jax
import jax.numpy as jnp
from jax import lax
from jax.experimental import pallas as pl
from jax.experimental.pallas import tpu as pltpu
from jax.experimental.pallas import tpu_sc as plsc

NC, NS, L = 2, 16, 16
NW = NC * NS
V = 21
VP = 32


def _sqrt16(x):
    i = plsc.bitcast(x, jnp.int32)
    y = plsc.bitcast(jnp.int32(0x5F3759DF) - (i >> 1), jnp.float32)
    hx = 0.5 * x
    y = y * (1.5 - hx * y * y)
    y = y * (1.5 - hx * y * y)
    return x * y


@functools.cache
def _make_score(B):
    bpw = B // NW
    ni = bpw // L
    mesh = plsc.VectorSubcoreMesh(core_axis_name="c", subcore_axis_name="s")

    @functools.partial(
        pl.kernel,
        out_type=(jax.ShapeDtypeStruct((12, B), jnp.float32),
                  jax.ShapeDtypeStruct((B,), jnp.float32)),
        mesh=mesh,
        compiler_params=pltpu.CompilerParams(
            needs_layout_passes=False,
            skip_device_barrier=True,
            disable_bounds_checks=True,
        ),
        scratch_types=[
            pltpu.VMEM((3, V), jnp.float32),
            pltpu.VMEM((5, bpw), jnp.int32),
            pltpu.VMEM((2, bpw), jnp.int32),
            pltpu.VMEM((V, VP), jnp.float32),
            pltpu.VMEM((12, bpw), jnp.float32),
            pltpu.VMEM((bpw,), jnp.float32),
            pltpu.SemaphoreType.DMA,
            pltpu.SemaphoreType.DMA,
            pltpu.SemaphoreType.DMA,
        ],
    )
    def _score(e_hbm, g_hbm, r2_hbm, rank_hbm, rate_hbm,
               e_v, g_v, r2_v, s_v, outr_v, outt_v,
               sem_e, sem_g, sem_r):
        wid = lax.axis_index("s") * NC + lax.axis_index("c")
        base = wid * bpw
        ce = pltpu.async_copy(e_hbm, e_v, sem_e)
        cg = pltpu.async_copy(g_hbm.at[:, pl.ds(base, bpw)], g_v, sem_g)
        cr = pltpu.async_copy(r2_hbm.at[:, pl.ds(base, bpw)], r2_v, sem_r)
        iota = lax.iota(jnp.int32, L)
        ce.wait()

        @plsc.parallel_loop(0, V, 1, unroll=3)
        def table_row(q):
            qsplat = jnp.full((L,), q, jnp.int32)
            qk = [plsc.load_gather(e_v, [jnp.full((L,), k, jnp.int32), qsplat])
                  for k in range(3)]
            for h in range(2):
                r = h * L + iota
                rc = jnp.minimum(r, V - 1) if h else r
                d2 = jnp.full((L,), 1e-12, jnp.float32)
                for k in range(3):
                    diff = qk[k] - plsc.load_gather(
                        e_v, [jnp.full((L,), k, jnp.int32), rc])
                    d2 = d2 + diff * diff
                s_v[q, pl.ds(h * L, L)] = (
                    jnp.exp(-10.0 * _sqrt16(d2)) + 0.001)

        cg.wait()
        cr.wait()

        @plsc.parallel_loop(0, ni, 1, unroll=4)
        def body(i):
            off = i * L
            q = g_v[0, pl.ds(off, L)]
            s = [plsc.load_gather(s_v, [q, g_v[j, pl.ds(off, L)]])
                 for j in range(1, 5)]
            sr = plsc.load_gather(
                s_v, [r2_v[0, pl.ds(off, L)], r2_v[1, pl.ds(off, L)]])
            total = ((s[0] + s[1]) + s[2]) + s[3]
            a = [total, total - s[0], total - s[1], total - s[2],
                 total - s[3], 1.0 + jnp.exp(-sr)]
            pre = [a[0]]
            for k in range(1, 5):
                pre.append(pre[-1] * a[k])
            suf = [a[5]]
            for k in range(4, 0, -1):
                suf.append(suf[-1] * a[k])
            inv_p = 1.0 / (pre[4] * a[5])
            it = suf[4] * inv_p
            dn = [pre[k - 1] * suf[4 - k] * inv_p for k in range(1, 5)]
            u = [sj * it for sj in s]
            slot = 0
            for x in range(4):
                for y in range(4):
                    if x == y:
                        continue
                    outr_v[slot, pl.ds(off, L)] = u[x] * (s[y] * dn[x])
                    slot += 1
            outt_v[pl.ds(off, L)] = pre[4] * inv_p

        pltpu.sync_copy(outr_v, rank_hbm.at[:, pl.ds(base, bpw)])
        pltpu.sync_copy(outt_v, rate_hbm.at[pl.ds(base, bpw)])

    return _score


def kernel(given4rank2_stimulus_set, rate2_stimulus_set, percept_embeddings):
    B = given4rank2_stimulus_set.shape[0]
    rank12, rate_flat = _make_score(B)(
        percept_embeddings.T,
        given4rank2_stimulus_set.T,
        rate2_stimulus_set.T)
    return rank12.T, rate_flat.reshape(B, 1)

# --- scband reference (transcript-rebuilt; emitter-appended) ---
"""Pipeline reference for scband-rank-rate-model-a-39273180954761 (READ-ONLY COPY).

The authoritative reference and input builder live on the scoring server;
editing this copy changes nothing except your own understanding.
"""

import jax, jax.numpy as jnp
import numpy as np
import itertools


def _similarity(z_q, z_r):
    # Minkowski(rho=2, w=1) distance followed by ExponentialSimilarity(beta=10, tau=1, gamma=0.001)
    d = jnp.sqrt(jnp.sum(jnp.square(z_q - z_r), axis=-1) + 1e-12)
    return jnp.exp(-10.0 * d) + 0.001


def setup_inputs(seed: int = 0) -> dict:
    key = jax.random.key(seed)
    k1, k2, k3 = jax.random.split(key, 3)
    B = 16384
    given4rank2_stimulus_set = jax.random.randint(k1, (B, 5), 0, 21).astype(jnp.int32)
    rate2_stimulus_set = jax.random.randint(k2, (B, 2), 0, 21).astype(jnp.int32)
    percept_embeddings = jax.random.normal(k3, (21, 3), dtype=jnp.float32)
    return {
        "given4rank2_stimulus_set": given4rank2_stimulus_set,
        "rate2_stimulus_set": rate2_stimulus_set,
        "percept_embeddings": percept_embeddings,
    }


def reference(given4rank2_stimulus_set, rate2_stimulus_set, percept_embeddings):
    # ---- rank branch: given4rank2 (1 query, 4 references, select 2) ----
    z = jnp.take(percept_embeddings, given4rank2_stimulus_set, axis=0)  # [B, 5, 3]
    z_q = z[:, :1, :]  # [B, 1, 3]
    z_r = z[:, 1:, :]  # [B, 4, 3]
    s = _similarity(z_q, z_r)  # [B, 4]
    total = jnp.sum(s, axis=1)  # [B]
    outs = []
    # Plackett-Luce probabilities over ordered selections of 2 of 4 references (12 outcomes)
    for (i, j) in itertools.permutations(range(4), 2):
        p = (s[:, i] / total) * (s[:, j] / (total - s[:, i]))
        outs.append(p)
    rank_out = jnp.stack(outs, axis=1)  # [B, 12]

    # ---- rate branch: rate2 (pairwise similarity -> logistic) ----
    z2 = jnp.take(percept_embeddings, rate2_stimulus_set, axis=0)  # [B, 2, 3]
    s2 = _similarity(z2[:, :1, :], z2[:, 1:, :])  # [B, 1]
    # Logistic layer with default upper=1, midpoint=0, rate=1 -> sigmoid
    rate_out = jax.nn.sigmoid(s2)  # [B, 1]

    return (rank_out, rate_out)

if __name__ == "__main__":
    import jax
    _d = setup_inputs()
    print(jax.jit(kernel)(*tuple(_d.values())))

</pallas_src>

<mosaic_0001>
#map = affine_map<(d0, d1) -> (0, 0)>
#map1 = affine_map<(d0, d1) -> (0)>
module attributes {stable_mosaic.version = 14 : i64} {
  func.func @_score(%arg0: i32, %arg1: i32, %arg2: memref<3x21xf32, #tpu.memory_space<hbm>>, %arg3: memref<5x16384xi32, #tpu.memory_space<hbm>>, %arg4: memref<2x16384xi32, #tpu.memory_space<hbm>>, %arg5: memref<12x16384xf32, #tpu.memory_space<hbm>>, %arg6: memref<16384xf32, #tpu.memory_space<hbm>>, %arg7: memref<3x21xf32, #tpu.memory_space<vmem>>, %arg8: memref<5x512xi32, #tpu.memory_space<vmem>>, %arg9: memref<2x512xi32, #tpu.memory_space<vmem>>, %arg10: memref<21x32xf32, #tpu.memory_space<vmem>>, %arg11: memref<12x512xf32, #tpu.memory_space<vmem>>, %arg12: memref<512xf32, #tpu.memory_space<vmem>>, %arg13: memref<!tpu.dma_semaphore, #tpu.memory_space<semaphore_mem>>, %arg14: memref<!tpu.dma_semaphore, #tpu.memory_space<semaphore_mem>>, %arg15: memref<!tpu.dma_semaphore, #tpu.memory_space<semaphore_mem>>) attributes {dimension_semantics = [#tpu.dimension_semantics<core_parallel>, #tpu.dimension_semantics<subcore_parallel>], iteration_bounds = array<i64: 2, 16>, scalar_prefetch = 0 : i64, scratch_operands = 9 : i64, tpu.core_type = #tpu.core_type<sc_vector_subcore>, window_params = [{transform_indices = #map}, {transform_indices = #map}, {transform_indices = #map}, {transform_indices = #map}, {transform_indices = #map1}]} {
    %mul3A = arith.constant 2 : i32
    %mul3A_0 = arith.muli %arg1, %mul3A : i32
    %add3A = arith.addi %mul3A_0, %arg0 : i32
    %mul3A_1 = arith.constant 512 : i32
    %mul3A_2 = arith.muli %add3A, %mul3A_1 : i32
    tpu.enqueue_dma source(%arg2 : memref<3x21xf32, #tpu.memory_space<hbm>>) target(%arg7 : memref<3x21xf32, #tpu.memory_space<vmem>>) target_semaphore(%arg13 : memref<!tpu.dma_semaphore, #tpu.memory_space<semaphore_mem>>)
    %dma_start3A = arith.constant 0 : i32
    %dma_start3A_3 = tpu.memref_slice %arg3[%dma_start3A, %mul3A_2] : memref<5x16384xi32, #tpu.memory_space<hbm>> -> memref<5x512xi32, #tpu.memory_space<hbm>>
    %dma_start3A_4 = arith.constant 0 : i32
    %dma_start3A_5 = tpu.memref_slice %arg3[%dma_start3A_4, %mul3A_2] : memref<5x16384xi32, #tpu.memory_space<hbm>> -> memref<5x512xi32, #tpu.memory_space<hbm>>
    tpu.enqueue_dma source(%dma_start3A_5 : memref<5x512xi32, #tpu.memory_space<hbm>>) target(%arg8 : memref<5x512xi32, #tpu.memory_space<vmem>>) target_semaphore(%arg14 : memref<!tpu.dma_semaphore, #tpu.memory_space<semaphore_mem>>)
    %dma_start3A_6 = arith.constant 0 : i32
    %dma_start3A_7 = tpu.memref_slice %arg4[%dma_start3A_6, %mul3A_2] : memref<2x16384xi32, #tpu.memory_space<hbm>> -> memref<2x512xi32, #tpu.memory_space<hbm>>
    %dma_start3A_8 = arith.constant 0 : i32
    %dma_start3A_9 = tpu.memref_slice %arg4[%dma_start3A_8, %mul3A_2] : memref<2x16384xi32, #tpu.memory_space<hbm>> -> memref<2x512xi32, #tpu.memory_space<hbm>>
    tpu.enqueue_dma source(%dma_start3A_9 : memref<2x512xi32, #tpu.memory_space<hbm>>) target(%arg9 : memref<2x512xi32, #tpu.memory_space<vmem>>) target_semaphore(%arg15 : memref<!tpu.dma_semaphore, #tpu.memory_space<semaphore_mem>>)
    %iota3A = tpu.iota {dimensions = array<i32: 0>} : vector<16xi32>
    tpu.wait_dma2 semaphore(%arg13 : memref<!tpu.dma_semaphore, #tpu.memory_space<semaphore_mem>>) src(%arg2 : memref<3x21xf32, #tpu.memory_space<hbm>>) dst(%arg7 : memref<3x21xf32, #tpu.memory_space<vmem>>)
    %parallel_loop3A = arith.constant 0 : i32
    %parallel_loop3A_10 = arith.constant 21 : i32
    %parallel_loop3A_11 = arith.constant 1 : i32
    scf.for %parallel_loop3A_22 = %parallel_loop3A to %parallel_loop3A_10 step %parallel_loop3A_11  : i32 {
      %parallel_loop3A_23 = vector.broadcast %parallel_loop3A_22 : i32 to vector<16xi32>
      %parallel_loop3A_24 = arith.constant 0 : i32
      %parallel_loop3A_25 = vector.broadcast %parallel_loop3A_24 : i32 to vector<16xi32>
      %parallel_loop3A_26 = tpu.vector_load_idx %arg7[%parallel_loop3A_25, %parallel_loop3A_23] : memref<3x21xf32, #tpu.memory_space<vmem>>[vector<16xi32>, vector<16xi32>], vector<16xf32>,
      %parallel_loop3A_27 = arith.constant 1 : i32
      %parallel_loop3A_28 = vector.broadcast %parallel_loop3A_27 : i32 to vector<16xi32>
      %parallel_loop3A_29 = tpu.vector_load_idx %arg7[%parallel_loop3A_28, %parallel_loop3A_23] : memref<3x21xf32, #tpu.memory_space<vmem>>[vector<16xi32>, vector<16xi32>], vector<16xf32>,
      %parallel_loop3A_30 = arith.constant 2 : i32
      %parallel_loop3A_31 = vector.broadcast %parallel_loop3A_30 : i32 to vector<16xi32>
      %parallel_loop3A_32 = tpu.vector_load_idx %arg7[%parallel_loop3A_31, %parallel_loop3A_23] : memref<3x21xf32, #tpu.memory_space<vmem>>[vector<16xi32>, vector<16xi32>], vector<16xf32>,
      %parallel_loop3A_33 = arith.constant 0 : i32
      %parallel_loop3A_34 = vector.broadcast %parallel_loop3A_33 : i32 to vector<16xi32>
      %parallel_loop3A_35 = arith.addi %parallel_loop3A_34, %iota3A : vector<16xi32>
      %parallel_loop3A_36 = arith.constant 9.99999996E-13 : f32
      %parallel_loop3A_37 = vector.broadcast %parallel_loop3A_36 : f32 to vector<16xf32>
      %parallel_loop3A_38 = arith.constant 0 : i32
      %parallel_loop3A_39 = vector.broadcast %parallel_loop3A_38 : i32 to vector<16xi32>
      %parallel_loop3A_40 = tpu.vector_load_idx %arg7[%parallel_loop3A_39, %parallel_loop3A_35] : memref<3x21xf32, #tpu.memory_space<vmem>>[vector<16xi32>, vector<16xi32>], vector<16xf32>,
      %parallel_loop3A_41 = arith.subf %parallel_loop3A_26, %parallel_loop3A_40 : vector<16xf32>
      %parallel_loop3A_42 = arith.mulf %parallel_loop3A_41, %parallel_loop3A_41 : vector<16xf32>
      %parallel_loop3A_43 = arith.addf %parallel_loop3A_37, %parallel_loop3A_42 : vector<16xf32>
      %parallel_loop3A_44 = arith.constant 1 : i32
      %parallel_loop3A_45 = vector.broadcast %parallel_loop3A_44 : i32 to vector<16xi32>
      %parallel_loop3A_46 = tpu.vector_load_idx %arg7[%parallel_loop3A_45, %parallel_loop3A_35] : memref<3x21xf32, #tpu.memory_space<vmem>>[vector<16xi32>, vector<16xi32>], vector<16xf32>,
      %parallel_loop3A_47 = arith.subf %parallel_loop3A_29, %parallel_loop3A_46 : vector<16xf32>
      %parallel_loop3A_48 = arith.mulf %parallel_loop3A_47, %parallel_loop3A_47 : vector<16xf32>
      %parallel_loop3A_49 = arith.addf %parallel_loop3A_43, %parallel_loop3A_48 : vector<16xf32>
      %parallel_loop3A_50 = arith.constant 2 : i32
      %parallel_loop3A_51 = vector.broadcast %parallel_loop3A_50 : i32 to vector<16xi32>
      %parallel_loop3A_52 = tpu.vector_load_idx %arg7[%parallel_loop3A_51, %parallel_loop3A_35] : memref<3x21xf32, #tpu.memory_space<vmem>>[vector<16xi32>, vector<16xi32>], vector<16xf32>,
      %parallel_loop3A_53 = arith.subf %parallel_loop3A_32, %parallel_loop3A_52 : vector<16xf32>
      %parallel_loop3A_54 = arith.mulf %parallel_loop3A_53, %parallel_loop3A_53 : vector<16xf32>
      %parallel_loop3A_55 = arith.addf %parallel_loop3A_49, %parallel_loop3A_54 : vector<16xf32>
      %parallel_loop3A_56 = vector.bitcast %parallel_loop3A_55 : vector<16xf32> to vector<16xi32>
      %parallel_loop3A_57 = arith.constant 1 : i32
      %parallel_loop3A_58 = vector.broadcast %parallel_loop3A_57 : i32 to vector<16xi32>
      %parallel_loop3A_59 = arith.shrsi %parallel_loop3A_56, %parallel_loop3A_58 : vector<16xi32>
      %parallel_loop3A_60 = arith.constant 1597463007 : i32
      %parallel_loop3A_61 = vector.broadcast %parallel_loop3A_60 : i32 to vector<16xi32>
      %parallel_loop3A_62 = arith.subi %parallel_loop3A_61, %parallel_loop3A_59 : vector<16xi32>
      %parallel_loop3A_63 = vector.bitcast %parallel_loop3A_62 : vector<16xi32> to vector<16xf32>
      %parallel_loop3A_64 = arith.constant 5.000000e-01 : f32
      %parallel_loop3A_65 = vector.broadcast %parallel_loop3A_64 : f32 to vector<16xf32>
      %parallel_loop3A_66 = arith.mulf %parallel_loop3A_65, %parallel_loop3A_55 : vector<16xf32>
      %parallel_loop3A_67 = arith.mulf %parallel_loop3A_66, %parallel_loop3A_63 : vector<16xf32>
      %parallel_loop3A_68 = arith.mulf %parallel_loop3A_67, %parallel_loop3A_63 : vector<16xf32>
      %parallel_loop3A_69 = arith.constant 1.500000e+00 : f32
      %parallel_loop3A_70 = vector.broadcast %parallel_loop3A_69 : f32 to vector<16xf32>
      %parallel_loop3A_71 = arith.subf %parallel_loop3A_70, %parallel_loop3A_68 : vector<16xf32>
      %parallel_loop3A_72 = arith.mulf %parallel_loop3A_63, %parallel_loop3A_71 : vector<16xf32>
      %parallel_loop3A_73 = arith.mulf %parallel_loop3A_66, %parallel_loop3A_72 : vector<16xf32>
      %parallel_loop3A_74 = arith.mulf %parallel_loop3A_73, %parallel_loop3A_72 : vector<16xf32>
      %parallel_loop3A_75 = arith.constant 1.500000e+00 : f32
      %parallel_loop3A_76 = vector.broadcast %parallel_loop3A_75 : f32 to vector<16xf32>
      %parallel_loop3A_77 = arith.subf %parallel_loop3A_76, %parallel_loop3A_74 : vector<16xf32>
      %parallel_loop3A_78 = arith.mulf %parallel_loop3A_72, %parallel_loop3A_77 : vector<16xf32>
      %parallel_loop3A_79 = arith.mulf %parallel_loop3A_55, %parallel_loop3A_78 : vector<16xf32>
      %parallel_loop3A_80 = arith.constant -1.000000e+01 : f32
      %parallel_loop3A_81 = vector.broadcast %parallel_loop3A_80 : f32 to vector<16xf32>
      %parallel_loop3A_82 = arith.mulf %parallel_loop3A_81, %parallel_loop3A_79 : vector<16xf32>
      %parallel_loop3A_83 = math.exp %parallel_loop3A_82 : vector<16xf32>
      %parallel_loop3A_84 = arith.constant 1.000000e-03 : f32
      %parallel_loop3A_85 = vector.broadcast %parallel_loop3A_84 : f32 to vector<16xf32>
      %parallel_loop3A_86 = arith.addf %parallel_loop3A_83, %parallel_loop3A_85 : vector<16xf32>
      %parallel_loop3A_87 = arith.index_cast %parallel_loop3A_22 : i32 to index
      %parallel_loop3A_88 = arith.constant 0 : index
      %parallel_loop3A_89 = tpu.vector_load %arg10[%parallel_loop3A_87, %parallel_loop3A_88] {strides = array<i32>} : memref<21x32xf32, #tpu.memory_space<vmem>>, vector<16xf32>,
      tpu.vector_store %arg10[%parallel_loop3A_87, %parallel_loop3A_88], %parallel_loop3A_86 {strides = array<i32>} : memref<21x32xf32, #tpu.memory_space<vmem>>, vector<16xf32>,
      %parallel_loop3A_90 = arith.constant 16 : i32
      %parallel_loop3A_91 = vector.broadcast %parallel_loop3A_90 : i32 to vector<16xi32>
      %parallel_loop3A_92 = arith.addi %parallel_loop3A_91, %iota3A : vector<16xi32>
      %parallel_loop3A_93 = arith.constant 20 : i32
      %parallel_loop3A_94 = vector.broadcast %parallel_loop3A_93 : i32 to vector<16xi32>
      %parallel_loop3A_95 = arith.minsi %parallel_loop3A_92, %parallel_loop3A_94 : vector<16xi32>
      %parallel_loop3A_96 = arith.constant 9.99999996E-13 : f32
      %parallel_loop3A_97 = vector.broadcast %parallel_loop3A_96 : f32 to vector<16xf32>
      %parallel_loop3A_98 = arith.constant 0 : i32
      %parallel_loop3A_99 = vector.broadcast %parallel_loop3A_98 : i32 to vector<16xi32>
      %parallel_loop3A_100 = tpu.vector_load_idx %arg7[%parallel_loop3A_99, %parallel_loop3A_95] : memref<3x21xf32, #tpu.memory_space<vmem>>[vector<16xi32>, vector<16xi32>], vector<16xf32>,
      %parallel_loop3A_101 = arith.subf %parallel_loop3A_26, %parallel_loop3A_100 : vector<16xf32>
      %parallel_loop3A_102 = arith.mulf %parallel_loop3A_101, %parallel_loop3A_101 : vector<16xf32>
      %parallel_loop3A_103 = arith.addf %parallel_loop3A_97, %parallel_loop3A_102 : vector<16xf32>
      %parallel_loop3A_104 = arith.constant 1 : i32
      %parallel_loop3A_105 = vector.broadcast %parallel_loop3A_104 : i32 to vector<16xi32>
      %parallel_loop3A_106 = tpu.vector_load_idx %arg7[%parallel_loop3A_105, %parallel_loop3A_95] : memref<3x21xf32, #tpu.memory_space<vmem>>[vector<16xi32>, vector<16xi32>], vector<16xf32>,
      %parallel_loop3A_107 = arith.subf %parallel_loop3A_29, %parallel_loop3A_106 : vector<16xf32>
      %parallel_loop3A_108 = arith.mulf %parallel_loop3A_107, %parallel_loop3A_107 : vector<16xf32>
      %parallel_loop3A_109 = arith.addf %parallel_loop3A_103, %parallel_loop3A_108 : vector<16xf32>
      %parallel_loop3A_110 = arith.constant 2 : i32
      %parallel_loop3A_111 = vector.broadcast %parallel_loop3A_110 : i32 to vector<16xi32>
      %parallel_loop3A_112 = tpu.vector_load_idx %arg7[%parallel_loop3A_111, %parallel_loop3A_95] : memref<3x21xf32, #tpu.memory_space<vmem>>[vector<16xi32>, vector<16xi32>], vector<16xf32>,
      %parallel_loop3A_113 = arith.subf %parallel_loop3A_32, %parallel_loop3A_112 : vector<16xf32>
      %parallel_loop3A_114 = arith.mulf %parallel_loop3A_113, %parallel_loop3A_113 : vector<16xf32>
      %parallel_loop3A_115 = arith.addf %parallel_loop3A_109, %parallel_loop3A_114 : vector<16xf32>
      %parallel_loop3A_116 = vector.bitcast %parallel_loop3A_115 : vector<16xf32> to vector<16xi32>
      %parallel_loop3A_117 = arith.constant 1 : i32
      %parallel_loop3A_118 = vector.broadcast %parallel_loop3A_117 : i32 to vector<16xi32>
      %parallel_loop3A_119 = arith.shrsi %parallel_loop3A_116, %parallel_loop3A_118 : vector<16xi32>
      %parallel_loop3A_120 = arith.constant 1597463007 : i32
      %parallel_loop3A_121 = vector.broadcast %parallel_loop3A_120 : i32 to vector<16xi32>
      %parallel_loop3A_122 = arith.subi %parallel_loop3A_121, %parallel_loop3A_119 : vector<16xi32>
      %parallel_loop3A_123 = vector.bitcast %parallel_loop3A_122 : vector<16xi32> to vector<16xf32>
      %parallel_loop3A_124 = arith.constant 5.000000e-01 : f32
      %parallel_loop3A_125 = vector.broadcast %parallel_loop3A_124 : f32 to vector<16xf32>
      %parallel_loop3A_126 = arith.mulf %parallel_loop3A_125, %parallel_loop3A_115 : vector<16xf32>
      %parallel_loop3A_127 = arith.mulf %parallel_loop3A_126, %parallel_loop3A_123 : vector<16xf32>
      %parallel_loop3A_128 = arith.mulf %parallel_loop3A_127, %parallel_loop3A_123 : vector<16xf32>
      %parallel_loop3A_129 = arith.constant 1.500000e+00 : f32
      %parallel_loop3A_130 = vector.broadcast %parallel_loop3A_129 : f32 to vector<16xf32>
      %parallel_loop3A_131 = arith.subf %parallel_loop3A_130, %parallel_loop3A_128 : vector<16xf32>
      %parallel_loop3A_132 = arith.mulf %parallel_loop3A_123, %parallel_loop3A_131 : vector<16xf32>
      %parallel_loop3A_133 = arith.mulf %parallel_loop3A_126, %parallel_loop3A_132 : vector<16xf32>
      %parallel_loop3A_134 = arith.mulf %parallel_loop3A_133, %parallel_loop3A_132 : vector<16xf32>
      %parallel_loop3A_135 = arith.constant 1.500000e+00 : f32
      %parallel_loop3A_136 = vector.broadcast %parallel_loop3A_135 : f32 to vector<16xf32>
      %parallel_loop3A_137 = arith.subf %parallel_loop3A_136, %parallel_loop3A_134 : vector<16xf32>
      %parallel_loop3A_138 = arith.mulf %parallel_loop3A_132, %parallel_loop3A_137 : vector<16xf32>
      %parallel_loop3A_139 = arith.mulf %parallel_loop3A_115, %parallel_loop3A_138 : vector<16xf32>
      %parallel_loop3A_140 = arith.constant -1.000000e+01 : f32
      %parallel_loop3A_141 = vector.broadcast %parallel_loop3A_140 : f32 to vector<16xf32>
      %parallel_loop3A_142 = arith.mulf %parallel_loop3A_141, %parallel_loop3A_139 : vector<16xf32>
      %parallel_loop3A_143 = math.exp %parallel_loop3A_142 : vector<16xf32>
      %parallel_loop3A_144 = arith.constant 1.000000e-03 : f32
      %parallel_loop3A_145 = vector.broadcast %parallel_loop3A_144 : f32 to vector<16xf32>
      %parallel_loop3A_146 = arith.addf %parallel_loop3A_143, %parallel_loop3A_145 : vector<16xf32>
      %parallel_loop3A_147 = arith.index_cast %parallel_loop3A_22 : i32 to index
      %parallel_loop3A_148 = arith.constant 16 : index
      %parallel_loop3A_149 = tpu.vector_load %arg10[%parallel_loop3A_147, %parallel_loop3A_148] {strides = array<i32>} : memref<21x32xf32, #tpu.memory_space<vmem>>, vector<16xf32>,
      tpu.vector_store %arg10[%parallel_loop3A_147, %parallel_loop3A_148], %parallel_loop3A_146 {strides = array<i32>} : memref<21x32xf32, #tpu.memory_space<vmem>>, vector<16xf32>,
    } {sc.loop_unroll_factor = 3 : i64, sc.parallel_access}
    %dma_wait3A = arith.constant 0 : i32
    %dma_wait3A_12 = tpu.memref_slice %arg3[%dma_wait3A, %mul3A_2] : memref<5x16384xi32, #tpu.memory_space<hbm>> -> memref<5x512xi32, #tpu.memory_space<hbm>>
    %dma_wait3A_13 = arith.constant 0 : i32
    %dma_wait3A_14 = tpu.memref_slice %arg3[%dma_wait3A_13, %mul3A_2] : memref<5x16384xi32, #tpu.memory_space<hbm>> -> memref<5x512xi32, #tpu.memory_space<hbm>>
    tpu.wait_dma2 semaphore(%arg14 : memref<!tpu.dma_semaphore, #tpu.memory_space<semaphore_mem>>) src(%dma_wait3A_14 : memref<5x512xi32, #tpu.memory_space<hbm>>) dst(%arg8 : memref<5x512xi32, #tpu.memory_space<vmem>>)
    %dma_wait3A_15 = arith.constant 0 : i32
    %dma_wait3A_16 = tpu.memref_slice %arg4[%dma_wait3A_15, %mul3A_2] : memref<2x16384xi32, #tpu.memory_space<hbm>> -> memref<2x512xi32, #tpu.memory_space<hbm>>
    %dma_wait3A_17 = arith.constant 0 : i32
    %dma_wait3A_18 = tpu.memref_slice %arg4[%dma_wait3A_17, %mul3A_2] : memref<2x16384xi32, #tpu.memory_space<hbm>> -> memref<2x512xi32, #tpu.memory_space<hbm>>
    tpu.wait_dma2 semaphore(%arg15 : memref<!tpu.dma_semaphore, #tpu.memory_space<semaphore_mem>>) src(%dma_wait3A_18 : memref<2x512xi32, #tpu.memory_space<hbm>>) dst(%arg9 : memref<2x512xi32, #tpu.memory_space<vmem>>)
    %parallel_loop3A_19 = arith.constant 0 : i32
    %parallel_loop3A_20 = arith.constant 32 : i32
    %parallel_loop3A_21 = arith.constant 1 : i32
    scf.for %parallel_loop3A_22 = %parallel_loop3A_19 to %parallel_loop3A_20 step %parallel_loop3A_21  : i32 {
      %parallel_loop3A_23 = arith.constant 16 : i32
      %parallel_loop3A_24 = arith.muli %parallel_loop3A_22, %parallel_loop3A_23 : i32
      %parallel_loop3A_25 = arith.constant 0 : i32
      %parallel_loop3A_26 = arith.index_cast %parallel_loop3A_25 : i32 to index
      %parallel_loop3A_27 = arith.index_cast %parallel_loop3A_24 : i32 to index
      %parallel_loop3A_28 = tpu.vector_load %arg8[%parallel_loop3A_26, %parallel_loop3A_27] {strides = array<i32>} : memref<5x512xi32, #tpu.memory_space<vmem>>, vector<16xi32>,
      %parallel_loop3A_29 = arith.constant 1 : i32
      %parallel_loop3A_30 = arith.index_cast %parallel_loop3A_29 : i32 to index
      %parallel_loop3A_31 = arith.index_cast %parallel_loop3A_24 : i32 to index
      %parallel_loop3A_32 = tpu.vector_load %arg8[%parallel_loop3A_30, %parallel_loop3A_31] {strides = array<i32>} : memref<5x512xi32, #tpu.memory_space<vmem>>, vector<16xi32>,
      %parallel_loop3A_33 = tpu.vector_load_idx %arg10[%parallel_loop3A_28, %parallel_loop3A_32] : memref<21x32xf32, #tpu.memory_space<vmem>>[vector<16xi32>, vector<16xi32>], vector<16xf32>,
      %parallel_loop3A_34 = arith.constant 2 : i32
      %parallel_loop3A_35 = arith.index_cast %parallel_loop3A_34 : i32 to index
      %parallel_loop3A_36 = arith.index_cast %parallel_loop3A_24 : i32 to index
      %parallel_loop3A_37 = tpu.vector_load %arg8[%parallel_loop3A_35, %parallel_loop3A_36] {strides = array<i32>} : memref<5x512xi32, #tpu.memory_space<vmem>>, vector<16xi32>,
      %parallel_loop3A_38 = tpu.vector_load_idx %arg10[%parallel_loop3A_28, %parallel_loop3A_37] : memref<21x32xf32, #tpu.memory_space<vmem>>[vector<16xi32>, vector<16xi32>], vector<16xf32>,
      %parallel_loop3A_39 = arith.constant 3 : i32
      %parallel_loop3A_40 = arith.index_cast %parallel_loop3A_39 : i32 to index
      %parallel_loop3A_41 = arith.index_cast %parallel_loop3A_24 : i32 to index
      %parallel_loop3A_42 = tpu.vector_load %arg8[%parallel_loop3A_40, %parallel_loop3A_41] {strides = array<i32>} : memref<5x512xi32, #tpu.memory_space<vmem>>, vector<16xi32>,
      %parallel_loop3A_43 = tpu.vector_load_idx %arg10[%parallel_loop3A_28, %parallel_loop3A_42] : memref<21x32xf32, #tpu.memory_space<vmem>>[vector<16xi32>, vector<16xi32>], vector<16xf32>,
      %parallel_loop3A_44 = arith.constant 4 : i32
      %parallel_loop3A_45 = arith.index_cast %parallel_loop3A_44 : i32 to index
      %parallel_loop3A_46 = arith.index_cast %parallel_loop3A_24 : i32 to index
      %parallel_loop3A_47 = tpu.vector_load %arg8[%parallel_loop3A_45, %parallel_loop3A_46] {strides = array<i32>} : memref<5x512xi32, #tpu.memory_space<vmem>>, vector<16xi32>,
      %parallel_loop3A_48 = tpu.vector_load_idx %arg10[%parallel_loop3A_28, %parallel_loop3A_47] : memref<21x32xf32, #tpu.memory_space<vmem>>[vector<16xi32>, vector<16xi32>], vector<16xf32>,
      %parallel_loop3A_49 = arith.constant 0 : i32
      %parallel_loop3A_50 = arith.index_cast %parallel_loop3A_49 : i32 to index
      %parallel_loop3A_51 = arith.index_cast %parallel_loop3A_24 : i32 to index
      %parallel_loop3A_52 = tpu.vector_load %arg9[%parallel_loop3A_50, %parallel_loop3A_51] {strides = array<i32>} : memref<2x512xi32, #tpu.memory_space<vmem>>, vector<16xi32>,
      %parallel_loop3A_53 = arith.constant 1 : i32
      %parallel_loop3A_54 = arith.index_cast %parallel_loop3A_53 : i32 to index
      %parallel_loop3A_55 = arith.index_cast %parallel_loop3A_24 : i32 to index
      %parallel_loop3A_56 = tpu.vector_load %arg9[%parallel_loop3A_54, %parallel_loop3A_55] {strides = array<i32>} : memref<2x512xi32, #tpu.memory_space<vmem>>, vector<16xi32>,
      %parallel_loop3A_57 = tpu.vector_load_idx %arg10[%parallel_loop3A_52, %parallel_loop3A_56] : memref<21x32xf32, #tpu.memory_space<vmem>>[vector<16xi32>, vector<16xi32>], vector<16xf32>,
      %parallel_loop3A_58 = arith.addf %parallel_loop3A_33, %parallel_loop3A_38 : vector<16xf32>
      %parallel_loop3A_59 = arith.addf %parallel_loop3A_58, %parallel_loop3A_43 : vector<16xf32>
      %parallel_loop3A_60 = arith.addf %parallel_loop3A_59, %parallel_loop3A_48 : vector<16xf32>
      %parallel_loop3A_61 = arith.subf %parallel_loop3A_60, %parallel_loop3A_33 : vector<16xf32>
      %parallel_loop3A_62 = arith.subf %parallel_loop3A_60, %parallel_loop3A_38 : vector<16xf32>
      %parallel_loop3A_63 = arith.subf %parallel_loop3A_60, %parallel_loop3A_43 : vector<16xf32>
      %parallel_loop3A_64 = arith.subf %parallel_loop3A_60, %parallel_loop3A_48 : vector<16xf32>
      %parallel_loop3A_65 = arith.constant 0.000000e+00 : f32
      %parallel_loop3A_66 = vector.broadcast %parallel_loop3A_65 : f32 to vector<16xf32>
      %parallel_loop3A_67 = arith.subf %parallel_loop3A_66, %parallel_loop3A_57 : vector<16xf32>
      %parallel_loop3A_68 = math.exp %parallel_loop3A_67 : vector<16xf32>
      %parallel_loop3A_69 = arith.constant 1.000000e+00 : f32
      %parallel_loop3A_70 = vector.broadcast %parallel_loop3A_69 : f32 to vector<16xf32>
      %parallel_loop3A_71 = arith.addf %parallel_loop3A_70, %parallel_loop3A_68 : vector<16xf32>
      %parallel_loop3A_72 = arith.mulf %parallel_loop3A_60, %parallel_loop3A_61 : vector<16xf32>
      %parallel_loop3A_73 = arith.mulf %parallel_loop3A_72, %parallel_loop3A_62 : vector<16xf32>
      %parallel_loop3A_74 = arith.mulf %parallel_loop3A_73, %parallel_loop3A_63 : vector<16xf32>
      %parallel_loop3A_75 = arith.mulf %parallel_loop3A_74, %parallel_loop3A_64 : vector<16xf32>
      %parallel_loop3A_76 = arith.mulf %parallel_loop3A_71, %parallel_loop3A_64 : vector<16xf32>
      %parallel_loop3A_77 = arith.mulf %parallel_loop3A_76, %parallel_loop3A_63 : vector<16xf32>
      %parallel_loop3A_78 = arith.mulf %parallel_loop3A_77, %parallel_loop3A_62 : vector<16xf32>
      %parallel_loop3A_79 = arith.mulf %parallel_loop3A_78, %parallel_loop3A_61 : vector<16xf32>
      %parallel_loop3A_80 = arith.mulf %parallel_loop3A_75, %parallel_loop3A_71 : vector<16xf32>
      %parallel_loop3A_81 = arith.constant 1.000000e+00 : f32
      %parallel_loop3A_82 = vector.broadcast %parallel_loop3A_81 : f32 to vector<16xf32>
      %parallel_loop3A_83 = arith.divf %parallel_loop3A_82, %parallel_loop3A_80 : vector<16xf32>
      %parallel_loop3A_84 = arith.mulf %parallel_loop3A_79, %parallel_loop3A_83 : vector<16xf32>
      %parallel_loop3A_85 = arith.mulf %parallel_loop3A_60, %parallel_loop3A_78 : vector<16xf32>
      %parallel_loop3A_86 = arith.mulf %parallel_loop3A_85, %parallel_loop3A_83 : vector<16xf32>
      %parallel_loop3A_87 = arith.mulf %parallel_loop3A_72, %parallel_loop3A_77 : vector<16xf32>
      %parallel_loop3A_88 = arith.mulf %parallel_loop3A_87, %parallel_loop3A_83 : vector<16xf32>
      %parallel_loop3A_89 = arith.mulf %parallel_loop3A_73, %parallel_loop3A_76 : vector<16xf32>
      %parallel_loop3A_90 = arith.mulf %parallel_loop3A_89, %parallel_loop3A_83 : vector<16xf32>
      %parallel_loop3A_91 = arith.mulf %parallel_loop3A_74, %parallel_loop3A_71 : vector<16xf32>
      %parallel_loop3A_92 = arith.mulf %parallel_loop3A_91, %parallel_loop3A_83 : vector<16xf32>
      %parallel_loop3A_93 = arith.mulf %parallel_loop3A_33, %parallel_loop3A_84 : vector<16xf32>
      %parallel_loop3A_94 = arith.mulf %parallel_loop3A_38, %parallel_loop3A_84 : vector<16xf32>
      %parallel_loop3A_95 = arith.mulf %parallel_loop3A_43, %parallel_loop3A_84 : vector<16xf32>
      %parallel_loop3A_96 = arith.mulf %parallel_loop3A_48, %parallel_loop3A_84 : vector<16xf32>
      %parallel_loop3A_97 = arith.mulf %parallel_loop3A_38, %parallel_loop3A_86 : vector<16xf32>
      %parallel_loop3A_98 = arith.mulf %parallel_loop3A_93, %parallel_loop3A_97 : vector<16xf32>
      %parallel_loop3A_99 = arith.constant 0 : i32
      %parallel_loop3A_100 = arith.index_cast %parallel_loop3A_99 : i32 to index
      %parallel_loop3A_101 = arith.index_cast %parallel_loop3A_24 : i32 to index
      %parallel_loop3A_102 = tpu.vector_load %arg11[%parallel_loop3A_100, %parallel_loop3A_101] {strides = array<i32>} : memref<12x512xf32, #tpu.memory_space<vmem>>, vector<16xf32>,
      tpu.vector_store %arg11[%parallel_loop3A_100, %parallel_loop3A_101], %parallel_loop3A_98 {strides = array<i32>} : memref<12x512xf32, #tpu.memory_space<vmem>>, vector<16xf32>,
      %parallel_loop3A_103 = arith.mulf %parallel_loop3A_43, %parallel_loop3A_86 : vector<16xf32>
      %parallel_loop3A_104 = arith.mulf %parallel_loop3A_93, %parallel_loop3A_103 : vector<16xf32>
      %parallel_loop3A_105 = arith.constant 1 : i32
      %parallel_loop3A_106 = arith.index_cast %parallel_loop3A_105 : i32 to index
      %parallel_loop3A_107 = arith.index_cast %parallel_loop3A_24 : i32 to index
      %parallel_loop3A_108 = tpu.vector_load %arg11[%parallel_loop3A_106, %parallel_loop3A_107] {strides = array<i32>} : memref<12x512xf32, #tpu.memory_space<vmem>>, vector<16xf32>,
      tpu.vector_store %arg11[%parallel_loop3A_106, %parallel_loop3A_107], %parallel_loop3A_104 {strides = array<i32>} : memref<12x512xf32, #tpu.memory_space<vmem>>, vector<16xf32>,
      %parallel_loop3A_109 = arith.mulf %parallel_loop3A_48, %parallel_loop3A_86 : vector<16xf32>
      %parallel_loop3A_110 = arith.mulf %parallel_loop3A_93, %parallel_loop3A_109 : vector<16xf32>
      %parallel_loop3A_111 = arith.constant 2 : i32
      %parallel_loop3A_112 = arith.index_cast %parallel_loop3A_111 : i32 to index
      %parallel_loop3A_113 = arith.index_cast %parallel_loop3A_24 : i32 to index
      %parallel_loop3A_114 = tpu.vector_load %arg11[%parallel_loop3A_112, %parallel_loop3A_113] {strides = array<i32>} : memref<12x512xf32, #tpu.memory_space<vmem>>, vector<16xf32>,
      tpu.vector_store %arg11[%parallel_loop3A_112, %parallel_loop3A_113], %parallel_loop3A_110 {strides = array<i32>} : memref<12x512xf32, #tpu.memory_space<vmem>>, vector<16xf32>,
      %parallel_loop3A_115 = arith.mulf %parallel_loop3A_33, %parallel_loop3A_88 : vector<16xf32>
      %parallel_loop3A_116 = arith.mulf %parallel_loop3A_94, %parallel_loop3A_115 : vector<16xf32>
      %parallel_loop3A_117 = arith.constant 3 : i32
      %parallel_loop3A_118 = arith.index_cast %parallel_loop3A_117 : i32 to index
      %parallel_loop3A_119 = arith.index_cast %parallel_loop3A_24 : i32 to index
      %parallel_loop3A_120 = tpu.vector_load %arg11[%parallel_loop3A_118, %parallel_loop3A_119] {strides = array<i32>} : memref<12x512xf32, #tpu.memory_space<vmem>>, vector<16xf32>,
      tpu.vector_store %arg11[%parallel_loop3A_118, %parallel_loop3A_119], %parallel_loop3A_116 {strides = array<i32>} : memref<12x512xf32, #tpu.memory_space<vmem>>, vector<16xf32>,
      %parallel_loop3A_121 = arith.mulf %parallel_loop3A_43, %parallel_loop3A_88 : vector<16xf32>
      %parallel_loop3A_122 = arith.mulf %parallel_loop3A_94, %parallel_loop3A_121 : vector<16xf32>
      %parallel_loop3A_123 = arith.constant 4 : i32
      %parallel_loop3A_124 = arith.index_cast %parallel_loop3A_123 : i32 to index
      %parallel_loop3A_125 = arith.index_cast %parallel_loop3A_24 : i32 to index
      %parallel_loop3A_126 = tpu.vector_load %arg11[%parallel_loop3A_124, %parallel_loop3A_125] {strides = array<i32>} : memref<12x512xf32, #tpu.memory_space<vmem>>, vector<16xf32>,
      tpu.vector_store %arg11[%parallel_loop3A_124, %parallel_loop3A_125], %parallel_loop3A_122 {strides = array<i32>} : memref<12x512xf32, #tpu.memory_space<vmem>>, vector<16xf32>,
      %parallel_loop3A_127 = arith.mulf %parallel_loop3A_48, %parallel_loop3A_88 : vector<16xf32>
      %parallel_loop3A_128 = arith.mulf %parallel_loop3A_94, %parallel_loop3A_127 : vector<16xf32>
      %parallel_loop3A_129 = arith.constant 5 : i32
      %parallel_loop3A_130 = arith.index_cast %parallel_loop3A_129 : i32 to index
      %parallel_loop3A_131 = arith.index_cast %parallel_loop3A_24 : i32 to index
      %parallel_loop3A_132 = tpu.vector_load %arg11[%parallel_loop3A_130, %parallel_loop3A_131] {strides = array<i32>} : memref<12x512xf32, #tpu.memory_space<vmem>>, vector<16xf32>,
      tpu.vector_store %arg11[%parallel_loop3A_130, %parallel_loop3A_131], %parallel_loop3A_128 {strides = array<i32>} : memref<12x512xf32, #tpu.memory_space<vmem>>, vector<16xf32>,
      %parallel_loop3A_133 = arith.mulf %parallel_loop3A_33, %parallel_loop3A_90 : vector<16xf32>
      %parallel_loop3A_134 = arith.mulf %parallel_loop3A_95, %parallel_loop3A_133 : vector<16xf32>
      %parallel_loop3A_135 = arith.constant 6 : i32
      %parallel_loop3A_136 = arith.index_cast %parallel_loop3A_135 : i32 to index
      %parallel_loop3A_137 = arith.index_cast %parallel_loop3A_24 : i32 to index
      %parallel_loop3A_138 = tpu.vector_load %arg11[%parallel_loop3A_136, %parallel_loop3A_137] {strides = array<i32>} : memref<12x512xf32, #tpu.memory_space<vmem>>, vector<16xf32>,
      tpu.vector_store %arg11[%parallel_loop3A_136, %parallel_loop3A_137], %parallel_loop3A_134 {strides = array<i32>} : memref<12x512xf32, #tpu.memory_space<vmem>>, vector<16xf32>,
      %parallel_loop3A_139 = arith.mulf %parallel_loop3A_38, %parallel_loop3A_90 : vector<16xf32>
      %parallel_loop3A_140 = arith.mulf %parallel_loop3A_95, %parallel_loop3A_139 : vector<16xf32>
      %parallel_loop3A_141 = arith.constant 7 : i32
      %parallel_loop3A_142 = arith.index_cast %parallel_loop3A_141 : i32 to index
      %parallel_loop3A_143 = arith.index_cast %parallel_loop3A_24 : i32 to index
      %parallel_loop3A_144 = tpu.vector_load %arg11[%parallel_loop3A_142, %parallel_loop3A_143] {strides = array<i32>} : memref<12x512xf32, #tpu.memory_space<vmem>>, vector<16xf32>,
      tpu.vector_store %arg11[%parallel_loop3A_142, %parallel_loop3A_143], %parallel_loop3A_140 {strides = array<i32>} : memref<12x512xf32, #tpu.memory_space<vmem>>, vector<16xf32>,
      %parallel_loop3A_145 = arith.mulf %parallel_loop3A_48, %parallel_loop3A_90 : vector<16xf32>
      %parallel_loop3A_146 = arith.mulf %parallel_loop3A_95, %parallel_loop3A_145 : vector<16xf32>
      %parallel_loop3A_147 = arith.constant 8 : i32
      %parallel_loop3A_148 = arith.index_cast %parallel_loop3A_147 : i32 to index
      %parallel_loop3A_149 = arith.index_cast %parallel_loop3A_24 : i32 to index
      %parallel_loop3A_150 = tpu.vector_load %arg11[%parallel_loop3A_148, %parallel_loop3A_149] {strides = array<i32>} : memref<12x512xf32, #tpu.memory_space<vmem>>, vector<16xf32>,
      tpu.vector_store %arg11[%parallel_loop3A_148, %parallel_loop3A_149], %parallel_loop3A_146 {strides = array<i32>} : memref<12x512xf32, #tpu.memory_space<vmem>>, vector<16xf32>,
      %parallel_loop3A_151 = arith.mulf %parallel_loop3A_33, %parallel_loop3A_92 : vector<16xf32>
      %parallel_loop3A_152 = arith.mulf %parallel_loop3A_96, %parallel_loop3A_151 : vector<16xf32>
      %parallel_loop3A_153 = arith.constant 9 : i32
      %parallel_loop3A_154 = arith.index_cast %parallel_loop3A_153 : i32 to index
      %parallel_loop3A_155 = arith.index_cast %parallel_loop3A_24 : i32 to index
      %parallel_loop3A_156 = tpu.vector_load %arg11[%parallel_loop3A_154, %parallel_loop3A_155] {strides = array<i32>} : memref<12x512xf32, #tpu.memory_space<vmem>>, vector<16xf32>,
      tpu.vector_store %arg11[%parallel_loop3A_154, %parallel_loop3A_155], %parallel_loop3A_152 {strides = array<i32>} : memref<12x512xf32, #tpu.memory_space<vmem>>, vector<16xf32>,
      %parallel_loop3A_157 = arith.mulf %parallel_loop3A_38, %parallel_loop3A_92 : vector<16xf32>
      %parallel_loop3A_158 = arith.mulf %parallel_loop3A_96, %parallel_loop3A_157 : vector<16xf32>
      %parallel_loop3A_159 = arith.constant 10 : i32
      %parallel_loop3A_160 = arith.index_cast %parallel_loop3A_159 : i32 to index
      %parallel_loop3A_161 = arith.index_cast %parallel_loop3A_24 : i32 to index
      %parallel_loop3A_162 = tpu.vector_load %arg11[%parallel_loop3A_160, %parallel_loop3A_161] {strides = array<i32>} : memref<12x512xf32, #tpu.memory_space<vmem>>, vector<16xf32>,
      tpu.vector_store %arg11[%parallel_loop3A_160, %parallel_loop3A_161], %parallel_loop3A_158 {strides = array<i32>} : memref<12x512xf32, #tpu.memory_space<vmem>>, vector<16xf32>,
      %parallel_loop3A_163 = arith.mulf %parallel_loop3A_43, %parallel_loop3A_92 : vector<16xf32>
      %parallel_loop3A_164 = arith.mulf %parallel_loop3A_96, %parallel_loop3A_163 : vector<16xf32>
      %parallel_loop3A_165 = arith.constant 11 : i32
      %parallel_loop3A_166 = arith.index_cast %parallel_loop3A_165 : i32 to index
      %parallel_loop3A_167 = arith.index_cast %parallel_loop3A_24 : i32 to index
      %parallel_loop3A_168 = tpu.vector_load %arg11[%parallel_loop3A_166, %parallel_loop3A_167] {strides = array<i32>} : memref<12x512xf32, #tpu.memory_space<vmem>>, vector<16xf32>,
      tpu.vector_store %arg11[%parallel_loop3A_166, %parallel_loop3A_167], %parallel_loop3A_164 {strides = array<i32>} : memref<12x512xf32, #tpu.memory_space<vmem>>, vector<16xf32>,
      %parallel_loop3A_169 = arith.mulf %parallel_loop3A_75, %parallel_loop3A_83 : vector<16xf32>
      %parallel_loop3A_170 = arith.index_cast %parallel_loop3A_24 : i32 to index
      %parallel_loop3A_171 = tpu.vector_load %arg12[%parallel_loop3A_170] {strides = array<i32>} : memref<512xf32, #tpu.memory_space<vmem>>, vector<16xf32>,
      tpu.vector_store %arg12[%parallel_loop3A_170], %parallel_loop3A_169 {strides = array<i32>} : memref<512xf32, #tpu.memory_space<vmem>>, vector<16xf32>,
    } {sc.loop_unroll_factor = 4 : i64, sc.parallel_access}
    "tpu.region"() ({
      %run_scoped3A = tpu.sem_alloc : memref<!tpu.dma_semaphore, #tpu.memory_space<semaphore_mem>>
      %dma_start3A_22 = arith.constant 0 : i32
      %dma_start3A_23 = tpu.memref_slice %arg5[%dma_start3A_22, %mul3A_2] : memref<12x16384xf32, #tpu.memory_space<hbm>> -> memref<12x512xf32, #tpu.memory_space<hbm>>
      %dma_start3A_24 = arith.constant 0 : i32
      %dma_start3A_25 = tpu.memref_slice %arg5[%dma_start3A_24, %mul3A_2] : memref<12x16384xf32, #tpu.memory_space<hbm>> -> memref<12x512xf32, #tpu.memory_space<hbm>>
      tpu.enqueue_dma source(%arg11 : memref<12x512xf32, #tpu.memory_space<vmem>>) target(%dma_start3A_25 : memref<12x512xf32, #tpu.memory_space<hbm>>) target_semaphore(%run_scoped3A : memref<!tpu.dma_semaphore, #tpu.memory_space<semaphore_mem>>)
      %dma_wait3A_26 = arith.constant 0 : i32
      %dma_wait3A_27 = tpu.memref_slice %arg5[%dma_wait3A_26, %mul3A_2] : memref<12x16384xf32, #tpu.memory_space<hbm>> -> memref<12x512xf32, #tpu.memory_space<hbm>>
      %dma_wait3A_28 = arith.constant 0 : i32
      %dma_wait3A_29 = tpu.memref_slice %arg5[%dma_wait3A_28, %mul3A_2] : memref<12x16384xf32, #tpu.memory_space<hbm>> -> memref<12x512xf32, #tpu.memory_space<hbm>>
      tpu.wait_dma2 semaphore(%run_scoped3A : memref<!tpu.dma_semaphore, #tpu.memory_space<semaphore_mem>>) src(%arg11 : memref<12x512xf32, #tpu.memory_space<vmem>>) dst(%dma_wait3A_29 : memref<12x512xf32, #tpu.memory_space<hbm>>)
      tpu.yield
    }) : () -> ()
    "tpu.region"() ({
      %run_scoped3A = tpu.sem_alloc : memref<!tpu.dma_semaphore, #tpu.memory_space<semaphore_mem>>
      %dma_start3A_22 = tpu.memref_slice %arg6[%mul3A_2] : memref<16384xf32, #tpu.memory_space<hbm>> -> memref<512xf32, #tpu.memory_space<hbm>>
      %dma_start3A_23 = tpu.memref_slice %arg6[%mul3A_2] : memref<16384xf32, #tpu.memory_space<hbm>> -> memref<512xf32, #tpu.memory_space<hbm>>
      tpu.enqueue_dma source(%arg12 : memref<512xf32, #tpu.memory_space<vmem>>) target(%dma_start3A_23 : memref<512xf32, #tpu.memory_space<hbm>>) target_semaphore(%run_scoped3A : memref<!tpu.dma_semaphore, #tpu.memory_space<semaphore_mem>>)
      %dma_wait3A_24 = tpu.memref_slice %arg6[%mul3A_2] : memref<16384xf32, #tpu.memory_space<hbm>> -> memref<512xf32, #tpu.memory_space<hbm>>
      %dma_wait3A_25 = tpu.memref_slice %arg6[%mul3A_2] : memref<16384xf32, #tpu.memory_space<hbm>> -> memref<512xf32, #tpu.memory_space<hbm>>
      tpu.wait_dma2 semaphore(%run_scoped3A : memref<!tpu.dma_semaphore, #tpu.memory_space<semaphore_mem>>) src(%arg12 : memref<512xf32, #tpu.memory_space<vmem>>) dst(%dma_wait3A_25 : memref<512xf32, #tpu.memory_space<hbm>>)
      tpu.yield
    }) : () -> ()
    return
  }
}

</mosaic_0001>

<sc_bundles>
// kernel: kernel.3.cloned.1.call-start
scs
__scs_entry_jumppad:
0x0: {  	(pc) =	sbr.rel $0x88, $3  }
0x1: {  	(tag) =	ssettag $0x0;
	lr =	simm.s32 $0x1  }
0x2: {  	[smem:$0x3F9E] =	sst lr;
	_ =	strace $0xD0000000  }
0x3: {  	_ = 	snop  }
0x4: {  	_ = 	snop  }
0x5: {  	_ = 	snop  }
0x6: {  	_ = 	snop  }
0x7: {  	_ = 	snop  }
__scs_overlays_trampoline_lowered:
0x8: {  	[smem:$0x3FAD] =	sst s0  }
0x9: {  	[smem:$0x3FAE] =	sst s1  }
0xa: {  	[smem:$0x3FAF] =	sst s2  }
0xb: {  	[smem:$0x3FB0] =	sst s3  }
0xc: {  	[smem:$0x3FB1] =	sst s4  }
0xd: {  	[smem:$0x3FB2] =	sst s5  }
0xe: {  	[smem:$0x3FB3] =	sst s6  }
0xf: {  	[smem:$0x3FB4] =	sst s7  }
0x10: {  	[smem:$0x3FB5] =	sst s8  }
0x11: {  	[smem:$0x3FB6] =	sst s9;
	s0 =	simm.s32 @!p0 $0x0  }
0x12: {  	s1 =	sld [smem:$0x3F9C];
	s0 =	simm.s32 @p0 $0x1  }
0x13: {  	[smem:$0x3FB7] =	sst s0;
	s0 =	simm.s32 @!p1 $0x0  }
0x14: {  	s2 =	sld [smem:$0x3F9B];
	s0 =	simm.s32 @p1 $0x1  }
0x15: {  	[smem:$0x3FB8] =	sst s0;
	s0 =	simm.s32 @!p2 $0x0  }
0x16: {  	s3 =	sld [smem:$0x3FDB];
	s0 =	simm.s32 @p2 $0x1  }
0x17: {  	s4 =	simm.s32 $0x1BF5;
	[smem:$0x3FBA] =	sst s0  }
0x18: {  	s0 =	sld [smem:$0x3F9D];
	_ =	swait.ge [sflag:s4], $0x0  }
0x19: {  	s7 =	sld [smem:$0x3F9E]  }
0x1a: {  	s8 =	sadd.s32 $0xFFFFE003, lr  }
0x1b: {  	s9 =	sadd.s32 $0xFFFFFEF7, lr;
	s5 =	simm.s32 $0xFFFFFFFF;
	p2 =	slt.u32 s8, $0xFFFFF086  }
0x1c: {  	p1 =	slt.u32 s9, $0xF7A;
	s5 =	simm.s32 @!p2 $0x0  }
0x1d: {  	s5 =	simm.s32 @p1 $0x1;
	p0 =	seq.s32 s7, s2  }
0x1e: {  	s7 =	smul.u32 @!p0 $0xF7A, s2;
	p2 =	seq.s32 @!p0 s5, $0x0  }
0x1f: {  	s9 =	smul.u32 $0xF7A, s1;
	s8 =	simm.s32 @!p0 $0x1BF5;
	p2 =	por !p2, p0  }
0x20: {  	[sflag:s8] =	ssyncset.s32 @!p0 $0xFFFFF086;
	s6 =	sadd.s32 @!p0 s3, s7;
	s7 =	simm.s32 @!p0 $0x108  }
0x21: {  	s3 =	sadd.s32 s3, s9;
	s6 =	sadd.s32 @!p0 $0x88, s6;
	s7 =	simm.s32 @p2 $0x1082  }
0x22: {  	[simem:s7], [sflag:s8] =	dma.local @!p0 [hbm:s6], $0xF7A  }
0x23: {  	s9 =	sor.u32 $0xD0000000, s2;
	s6 =	simm.s32 $0x108;
	_ =	swait.ge @!p0 [sflag:s8], $0x0  }
0x24: {  	s3 =	sadd.s32 $0x88, s3;
	s6 =	simm.s32 @!p1 $0x1082;
	[sflag:s4] =	ssyncset.s32 $0xFFFFF086  }
0x25: {  	[simem:s6], [sflag:s4] =	dma.local [hbm:s3], $0xF7A  }
0x26: {  	[smem:$0x3F9E] =	sst s1;
	(tag) =	ssettag s2;
	_ =	strace s9  }
0x27: {  	s1 =	sld [smem:$0x3FAE]  }
0x28: {  	s2 =	sld [smem:$0x3FAF]  }
0x29: {  	s4 =	sld [smem:$0x3FB1]  }
0x2a: {  	p0 =	seq.s32 s5, $0x0;
	s5 =	sld [smem:$0x3FB2]  }
0x2b: {  	s6 =	sld [smem:$0x3FB3]  }
0x2c: {  	s7 =	sld [smem:$0x3FB4]  }
0x2d: {  	s3 =	simm.s32 $0x108;
	s8 =	sld [smem:$0x3FB5]  }
0x2e: {  	s3 =	simm.s32 @!p0 $0x1082;
	s9 =	sld [smem:$0x3FB6]  }
0x2f: {  	lr =	sadd.s32 s0, s3;
	s0 =	sld [smem:$0x3FAD]  }
0x30: {  	s3 =	sld [smem:$0x3FB0]  }
0x31: {  	[smem:$0x3FB9] =	sst s10  }
0x32: {  	s10 =	sld [smem:$0x3FB7];
	_ =	sdelay $0x3  }
0x33: {  	p0 =	seq.s32 s10, $0x1;
	s10 =	sld [smem:$0x3FB9];
	_ =	sdelay $0x3  }
0x34: {  	[smem:$0x3FB9] =	sst s10  }
0x35: {  	s10 =	sld [smem:$0x3FB8];
	_ =	sdelay $0x3  }
0x36: {  	p1 =	seq.s32 s10, $0x1;
	s10 =	sld [smem:$0x3FB9];
	_ =	sdelay $0x3  }
0x37: {  	[smem:$0x3FB9] =	sst s10  }
0x38: {  	s10 =	sld [smem:$0x3FBA]  }
0x39: {  	_ = 	snop;
	(pc) =	sbr.ind lr, $3  }
0x3a: {  	_ = 	snop  }
0x3b: {  	_ = 	snop  }
0x3c: {  	p2 =	seq.s32 s10, $0x1;
	s10 =	sld [smem:$0x3FB9]  }
0x3d: {  	_ =	shalt  }
0x3e: {  	_ =	shalt  }
0x3f: {  	_ =	shalt  }
0x40: {  	_ =	shalt  }
0x41: {  	_ =	shalt  }
0x42: {  	_ =	shalt  }
0x43: {  	_ =	shalt  }
0x44: {  	_ =	shalt  }
0x45: {  	_ =	shalt  }
0x46: {  	_ =	shalt  }
0x47: {  	_ =	shalt  }
0x48: {  	_ =	shalt  }
0x49: {  	_ =	shalt  }
0x4a: {  	_ =	shalt  }
0x4b: {  	_ =	shalt  }
0x4c: {  	_ =	shalt  }
0x4d: {  	_ =	shalt  }
0x4e: {  	_ =	shalt  }
0x4f: {  	_ =	shalt  }
0x50: {  	_ =	shalt  }
0x51: {  	_ =	shalt  }
0x52: {  	_ =	shalt  }
0x53: {  	_ =	shalt  }
0x54: {  	_ =	shalt  }
0x55: {  	_ =	shalt  }
0x56: {  	_ =	shalt  }
0x57: {  	_ =	shalt  }
0x58: {  	_ =	shalt  }
0x59: {  	_ =	shalt  }
0x5a: {  	_ =	shalt  }
0x5b: {  	_ =	shalt  }
0x5c: {  	_ =	shalt  }
0x5d: {  	_ =	shalt  }
0x5e: {  	_ =	shalt  }
0x5f: {  	_ =	shalt  }
0x60: {  	_ =	shalt  }
0x61: {  	_ =	shalt  }
0x62: {  	_ =	shalt  }
0x63: {  	_ =	shalt  }
0x64: {  	_ =	shalt  }
0x65: {  	_ =	shalt  }
0x66: {  	_ =	shalt  }
0x67: {  	_ =	shalt  }
0x68: {  	_ =	shalt  }
0x69: {  	_ =	shalt  }
0x6a: {  	_ =	shalt  }
0x6b: {  	_ =	shalt  }
0x6c: {  	_ =	shalt  }
0x6d: {  	_ =	shalt  }
0x6e: {  	_ =	shalt  }
0x6f: {  	_ =	shalt  }
0x70: {  	_ =	shalt  }
0x71: {  	_ =	shalt  }
0x72: {  	_ =	shalt  }
0x73: {  	_ =	shalt  }
0x74: {  	_ =	shalt  }
0x75: {  	_ =	shalt  }
0x76: {  	_ =	shalt  }
0x77: {  	_ =	shalt  }
0x78: {  	_ =	shalt  }
0x79: {  	_ =	shalt  }
0x7a: {  	_ =	shalt  }
0x7b: {  	_ =	shalt  }
0x7c: {  	_ =	shalt  }
0x7d: {  	_ =	shalt  }
0x7e: {  	_ =	shalt  }
0x7f: {  	_ =	shalt  }
0x80: {  	_ =	shalt  }
0x81: {  	_ =	shalt  }
0x82: {  	_ =	shalt  }
0x83: {  	_ =	shalt  }
0x84: {  	_ =	shalt  }
0x85: {  	_ =	shalt  }
0x86: {  	_ =	shalt  }
0x87: {  	_ =	shalt  }
.Lfunc_end0:
.L_simem_size_0:
called_computation_lowered:
.L_overlay_start_0:
0x88: {  	s2 =	sld [smem:$0x3FD9]  }
0x89: {  	s3 =	sld [smem:$0x3FFE];
	_ =	sdelay $0x1  }
0x8a: {  	s1 =	srdreg.scid  }
0x8b: {  	s0 =	sand.u32 $0x1, s1  }
0x8c: {  	s15 =	sshll.u32 s0, $0xA;
	s2 =	sadd.s32 s3, s2  }
0x8d: {  	s2 =	sadd.s32 s2, s15  }
0x8e: {  	[smem:$0x3FC5] =	sst s2  }
0x8f: {  	_ = 	snop  }
0x90: {  	s2 =	sld [smem:$0x3FD0]  }
0x91: {  	s16 =	sld [smem:$0x3FC9]  }
0x92: {  	s4 =	sld [smem:$0x3FC8]  }
0x93: {  	s6 =	simm.s32 $0xA;
	s7 =	simm.s32 $0x10;
	s5 =	sld [smem:$0x3FC7]  }
0x94: {  	[smem:s7], [sflag:s6] =	dma.local [hbm:s2], $0x1  }
0x95: {  	_ =	swait.eq [sflag:s6], $0x1  }
0x96: {  	[sflag:s6] =	ssyncset.done $0x0  }
0x97: {  	s17 =	sld [smem:$0x10];
	[sflag:s6] =	ssyncadd.s32 $0xFFFFFFFF  }
0x98: {  	s18 =	sld [smem:$0x11];
	(tm) =	ssettm $0x1  }
0x99: {  	s19 =	sld [smem:$0x3FFB];
	_ =	sdelay $0x3  }
0x9a: {  	_ =	strace s19  }
0x9b: {  	s7 =	sld [smem:$0x3FFC];
	_ =	sdelay $0x3  }
0x9c: {  	_ =	strace s7  }
0x9d: {  	s7 =	sld [smem:$0x3FFD];
	_ =	sdelay $0x3  }
0x9e: {  	_ =	strace s7  }
0x9f: {  	_ =	strace $0x8FFFFFFF  }
0xa0: {  	s20 =	sld [smem:$0x3FDB];
	_ =	sdelay $0x1  }
0xa1: {  	s8 =	simm.s32 $_scs_section_size  }
0xa2: {  	s9 =	simm.s32 $_size__tile_overlayer_lowered;
	s10 =	simm.s32 $_tile_overlayer_lowered  }
0xa3: {  	s23 =	simm.s32 $0x1BFF;
	s22 =	sshll.u32 s10, $0x1;
	s7 =	sadd.s32 s8, s20  }
0xa4: {  	s11 =	simm.s32 $0x0;
	s21 =	sshll.u32 s9, $0x1;
	s9 =	sadd.s32 s22, s7  }
0xa5: {  	[timem:s11], [sflag:s23] =	dma.local [hbm:s9], s21  }
0xa6: {  	_ =	swait.ge [sflag:s23], s21  }
0xa7: {  	s8 =	ssub.s32 $0x0, s21;
	[sflag:s23] =	ssyncset.done $0x0  }
0xa8: {  	[sflag:s23] =	ssyncadd.s32 s8;
	_ =	sdelay $0x1  }
0xa9: {  	s24 =	simm.s32 $0x1B8B  }
0xaa: {  	_ =	swait.ge [sflag:s24], $0x1  }
0xab: {  	[sflag:s24] =	ssyncset.done $0x0  }
0xac: {  	s25 =	simm.s32 $0x1B8E;
	[sflag:s24] =	ssyncadd.s32 $0xFFFFFFFF  }
0xad: {  	s26 =	simm.s32 $execute0_lowered;
	[smem:$0x3FD2] =	sst s25  }
0xae: {  	s8 =	sshll.u32 s26, $0x1;
	_ =	strace $0x80000046;
	[dreg:$0x1] =	wrdreg $0xFFFFFFFF  }
0xaf: {  	s28 =	simm.s32 $_size_execute0_lowered;
	s7 =	sadd.s32 s7, s8;
	[dreg:$0x0] =	wrdreg $0x0  }
0xb0: {  	s8 =	sshll.u32 s28, $0x1;
	[dreg:$0x2] =	wrdreg s7  }
0xb1: {  	[dreg:$0x3] =	wrdreg s8  }
0xb2: {  	[dreg:$0x4] =	wrdreg $0xC0  }
0xb3: {  	_ =	task [dreg:s11], $0x5FFFF  }
0xb4: {  	[dreg:$0x1] =	wrdreg $0xFFFFFFFF  }
0xb5: {  	[dreg:$0x0] =	wrdreg $0x60  }
0xb6: {  	[dreg:$0x2] =	wrdreg s5  }
0xb7: {  	[dreg:$0x3] =	wrdreg s16  }
0xb8: {  	[dreg:$0x4] =	wrdreg s4  }
0xb9: {  	[dreg:$0x5] =	wrdreg s17  }
0xba: {  	[dreg:$0x6] =	wrdreg s18  }
0xbb: {  	[dreg:$0x7] =	wrdreg $0x9  }
0xbc: {  	_ =	task.clear_ibuf [dreg:s11], $0x8FFFF;
	_ =	strace $0x90000046  }
0xbd: {  	s29 =	simm.s32 $0x9;
	_ =	strace $0x80000048  }
0xbe: {  	_ =	swait.ge [sflag:s29], $0x1  }
0xbf: {  	[sflag:s29] =	ssyncadd.s32 $0xFFFFFFFF  }
0xc0: {  	_ =	strace $0x90000048  }
0xc1: {  	_ =	sfence  }
0xc2: {  	s30 =	sld [smem:$0x0];
	_ =	sdelay $0x2  }
0xc3: {  	s31 =	sshll.u32 s1, $0xD;
	s1 =	sshrl.u32 s1, $0x2  }
0xc4: {  	s3 =	sand.u32 $0x4000, s31;
	s1 =	sadd.s32 s1, s30  }
0xc5: {  	s0 =	sor.u32 s3, s0;
	s1 =	sshll.u32 s1, $0x11  }
0xc6: {  	s0 =	sor.u32 s1, s0  }
0xc7: {  	s0 =	sadd.s32 $0x8F2B, s0  }
0xc8: {  	[sflag:s0] =	ssyncadd.remote.s32 $0x1  }
0xc9: {  	_ =	sfence.sel $0xFFFF  }
0xca: {  	[dreg:$0x0] =	wrdreg $0xFFFFFFFF;
	(pc) =	sbr.abs _section_cstart, $3  }
0xcb: {  	[dreg:$0x1] =	wrdreg $0xFFFFFFFF  }
0xcc: {  	_ =	task.clear_ibuf [dreg:s11], $0x2FFFF;
	_ =	strace $0x9FFFFFFF  }
0xcd: {  	(tm) =	ssettm $0x7FFFFFFF  }
tec
execute0_lowered:
.L_overlay_start_1:
0x0: {  	(tag) =	ssettag $0x1  }
0x1: {  	s0 =	rddreg [dreg:$0x1]  }
0x2: {  	s1 =	rddreg [dreg:$0x2]  }
0x3: {  	s2 =	rddreg [dreg:$0x3]  }
0x4: {  	s3 =	rddreg [dreg:$0x4];
	s4 =	srdreg.scid  }
0x5: {  	s8 =	simm.s32 $0x0;
	s6 =	stileid.u32;
	s4 =	sand.u32 $0x1, s4  }
0x6: {  	s6 =	sshll.u32 s6, $0xA;
	s5 =	ssub.s32 $0x2, s4;
	s4 =	sshll.u32 s4, $0x9  }
0x7: {  	v2 =	vimm.s32 $0x114;
	vm1 =	vcmask $0x300;
	[smem:$0x7FF] =	sst s8;
	s4 =	sor.u32 s4, s6  }
0x8: {  	v0 =	vimm.s32 $0x13121110;
	vm13 =	vcmask $0x704;
	v2 =	vsel vm1, $0x110, v2;
	_ =	strace $0x80000047;
	s7 =	sshrl.u32 s5, $0x1;
	s0 =	sadd.s32 s0, s4  }
0x9: {  	v1 =	vimm.s32 $0x93929190;
	v3 =	vsel vm13, $0x111, v2;
	v2 =	vlaneseq.u32;
	s6 =	sshrl.u32 s4, $0x2;
	s30 =	sadd.s32 s2, s4;
	[dreg:$0xe] =	wrdreg s0  }
0xa: {  	vm14 =	vcmask $0xB08;
	v1 =	vunpack.c.0.s8.s32 v1;
	v4 =	vor.u32 $0x100, v2;
	s29 =	sshrl.u32 s4, $0x3;
	s28 =	sadd.s32 s1, s6;
	[dreg:$0x10] =	wrdreg s30  }
0xb: {  	v0 =	vunpack.c.0.s8.s32 v0;
	v5 =	vsel vm14, $0x112, v3;
	v3 =	vor.u32 $0x80, v2;
	s5 =	ssub.s32 s5, s7;
	s0 =	sadd.s32 s3, s29;
	[dreg:$0xf] =	wrdreg s28  }
0xc: {  	vm0 =	vcmask $0xF00;
	vm15 =	vcmask $0xF0C;
	v1 =	vand.u32 $0xFF, v1;
	[tilespmem:$0x1FFE0] =	vst v3;
	s31 =	smax.u32 s5, $0x1;
	[dreg:$0x11] =	wrdreg s0  }
0xd: {  	s11 =	simm.s32 $0x1600;
	v0 =	vnsel vm0, $0x14, v0;
	v1 =	vnsel vm0, $0x94, v1;
	v5 =	vsel vm15, $0x113, v5;
	s2 =	simm.s32 $0x0;
	[tilespmem:$0x1FFF0] =	vst v4;
	[dreg:$0x12] =	wrdreg s31  }
.LBB2_1:
0xe: {  	[dreg:$0x13] =	wrdreg s2  }
0xf: {  	s0 =	rddreg [dreg:$0x0]  }
0x10: {  	[tilespmem:s8], [sflag:$0x1] =	stream.linear.gather [hbm4b:s0+s8], $0x180, $0x38;
	[tilespmem:$0x4400] =	vst v63  }
0x11: {  	s17 =	rddreg [dreg:$0xe];
	s1 =	simm.s32 $0x200;
	s18 =	simm.s32 $0x2  }
0x12: {  	[tilespmem:s1], [sflag:$0x2] =	stream.linear.gather [hbm4b:s17+s8], $0x1000, $0x38;
	[tilespmem:$0x4400] =	vst v63  }
0x13: {  	s19 =	rddreg [dreg:$0xf];
	s20 =	simm.s32 $0x1200;
	s21 =	simm.s32 $0x1  }
0x14: {  	v6 =	vmov s18;
	[tilespmem:s20], [sflag:$0x3] =	stream.linear.gather [hbm4b:s19+s8], $0x400, $0x38;
	[tilespmem:$0x4400] =	vst v63  }
0x15: {  	_ =	swait.ge [sflag:s21], $0x180  }
0x16: {  	v7 =	vor.u32 $0x80, v6;
	[sflag:s21] =	ssyncset.done $0x0  }
0x17: {  	[sflag:s21] =	ssyncadd.s32 $0xFFFFFE80  }
0x18: {  	v8 =	vor.u32 $0x100, v6;
	v12 =	vld.idx.msk [tilespmem:v2+s8+$0x0], $0xffff  }
0x19: {  	v17 =	vld.idx.msk [tilespmem:v6+s8+$0x0], $0xffff  }
0x1a: {  	v13 =	vld.idx.msk [tilespmem:v3+s8+$0x0], $0xffff  }
0x1b: {  	v16 =	vld.idx.msk [tilespmem:v7+s8+$0x0], $0xffff  }
0x1c: {  	v14 =	vld.idx.msk [tilespmem:v4+s8+$0x0], $0xffff  }
0x1d: {  	v15 =	vld.idx.msk [tilespmem:v8+s8+$0x0], $0xffff  }
0x1e: {  	v6 =	vsub.f32 v17, v12;
	_ =	sdelay $0x1  }
0x1f: {  	v7 =	vsub.f32 v16, v13;
	v6 =	vmul.f32 v6, v6;
	_ =	sdelay $0x1  }
0x20: {  	v8 =	vsub.f32 v15, v14;
	v7 =	vmul.f32 v7, v7;
	v6 =	vadd.f32 $9.999999960e-13, v6  }
0x21: {  	v9 =	vmov s8  }
0x22: {  	s22 =	simm.s32 $0x1;
	v11 =	vor.u32 $0x100, v9;
	v6 =	vadd.f32 v7, v6;
	v7 =	vmul.f32 v8, v8  }
0x23: {  	v8 =	vmov s22  }
0x24: {  	v18 =	vor.u32 $0x80, v9;
	v19 =	vadd.f32 v7, v6  }
0x25: {  	v7 =	vor.u32 $0x80, v8  }
0x26: {  	v10 =	vld.idx.msk [tilespmem:v9+s8+$0x0], $0xffff;
	v20 =	vor.u32 $0x100, v8;
	v9 =	vshra.s32 v19, $0x1;
	v21 =	vmul.f32 $5.000000000e-01, v19  }
0x27: {  	v6 =	vld.idx.msk [tilespmem:v11+s8+$0x0], $0xffff;
	v22 =	vsub.s32 $0x5F3759DF, v9  }
0x28: {  	v11 =	vld.idx.msk [tilespmem:v8+s8+$0x0], $0xffff;
	v23 =	vmul.f32 v22, v21  }
0x29: {  	v8 =	vld.idx.msk [tilespmem:v18+s8+$0x0], $0xffff  }
0x2a: {  	v9 =	vld.idx.msk [tilespmem:v7+s8+$0x0], $0xffff;
	v18 =	vmul.f32 v22, v23  }
0x2b: {  	v7 =	vld.idx.msk [tilespmem:v20+s8+$0x0], $0xffff  }
0x2c: {  	v20 =	vsub.f32 v10, v12;
	v18 =	vsub.f32 $1.500000000e+00, v18  }
0x2d: {  	v12 =	vsub.f32 v11, v12  }
0x2e: {  	v23 =	vsub.f32 v6, v14;
	v20 =	vmul.f32 v20, v20;
	v18 =	vmul.f32 v22, v18  }
0x2f: {  	v24 =	vsub.f32 v8, v13;
	v13 =	vsub.f32 v9, v13;
	v12 =	vmul.f32 v12, v12  }
0x30: {  	v20 =	vadd.f32 $9.999999960e-13, v20;
	v14 =	vsub.f32 v7, v14;
	v21 =	vmul.f32 v18, v21  }
0x31: {  	v22 =	vmul.f32 v24, v24;
	v13 =	vmul.f32 v13, v13;
	v12 =	vadd.f32 $9.999999960e-13, v12  }
0x32: {  	v23 =	vmul.f32 v23, v23;
	v21 =	vmul.f32 v21, v18  }
0x33: {  	v14 =	vmul.f32 v14, v14;
	v12 =	vadd.f32 v13, v12;
	v13 =	vadd.f32 v22, v20  }
0x34: {  	v20 =	vsub.f32 $1.500000000e+00, v21  }
0x35: {  	v21 =	vadd.f32 v14, v12;
	v22 =	vadd.f32 v23, v13  }
0x36: {  	v12 =	vmul.f32 v20, v18  }
0x37: {  	v13 =	vshra.s32 v21, $0x1;
	v14 =	vshra.s32 v22, $0x1;
	v18 =	vmul.f32 $5.000000000e-01, v21  }
0x38: {  	v20 =	vmul.f32 $5.000000000e-01, v22;
	v13 =	vsub.s32 $0x5F3759DF, v13;
	v12 =	vmul.f32 v12, v19  }
0x39: {  	v14 =	vsub.s32 $0x5F3759DF, v14;
	v19 =	vmul.f32 v13, v18  }
0x3a: {  	v23 =	vmul.f32 v14, v20;
	v12 =	vmul.f32 $-1.000000000e+01, v12  }
0x3b: {  	v19 =	vmul.f32 v13, v19  }
0x3c: {  	s23 =	simm.s32 $0x3;
	v23 =	vmul.f32 v14, v23;
	v12 =	vmul.f32 $1.442695020e+00, v12  }
0x3d: {  	v24 =	vmov s23;
	v19 =	vsub.f32 $1.500000000e+00, v19  }
0x3e: {  	s24 =	simm.s32 $0x4;
	v25 =	vor.u32 $0x100, v24;
	v23 =	vsub.f32 $1.500000000e+00, v23;
	(erf) = vpow2.f32 v12  }
0x3f: {  	v26 =	vmov s24;
	v19 =	vmul.f32 v13, v19;
	v13 =	vor.u32 $0x80, v24  }
0x40: {  	v27 =	vor.u32 $0x100, v26;
	v23 =	vmul.f32 v14, v23  }
0x41: {  	v12 =	vmul.f32 v19, v18  }
0x42: {  	v14 =	vmul.f32 v23, v20;
	v18 =	vld.idx.msk [tilespmem:v24+s8+$0x0], $0xffff;
	v24 =	vor.u32 $0x80, v26  }
0x43: {  	v20 =	vmul.f32 v12, v19;
	v12 =	vld.idx.msk [tilespmem:v25+s8+$0x0], $0xffff  }
0x44: {  	v25 =	vmul.f32 v14, v23;
	v14 =	vld.idx.msk [tilespmem:v13+s8+$0x0], $0xffff  }
0x45: {  	v13 =	vld.idx.msk [tilespmem:v27+s8+$0x0], $0xffff;
	v28 =	vsub.f32 $1.500000000e+00, v20  }
0x46: {  	s25 =	simm.s32 $0x5;
	v20 =	vld.idx.msk [tilespmem:v26+s8+$0x0], $0xffff;
	v25 =	vsub.f32 $1.500000000e+00, v25  }
0x47: {  	v26 =	vmul.f32 v28, v19;
	v19 =	vld.idx.msk [tilespmem:v24+s8+$0x0], $0xffff;
	v24 =	vmov s25;
	v27 =	vpop (erf)  }
0x48: {  	v29 =	vld.idx.msk [tilespmem:v2+s8+$0x0], $0xffff;
	v23 =	vmul.f32 v25, v23;
	v27 =	vadd.f32 $1.000000050e-03, v27  }
0x49: {  	s21 =	simm.s32 $0x1690;
	v25 =	vld.idx.msk [tilespmem:v4+s8+$0x0], $0xffff;
	v28 =	vor.u32 $0x80, v24;
	v21 =	vmul.f32 v26, v21  }
0x4a: {  	v26 =	vld.idx.msk [tilespmem:v3+s8+$0x0], $0xffff;
	v22 =	vmul.f32 v23, v22;
	[tilespmem:s21+$0x70] =	vst v27  }
0x4b: {  	v23 =	vmul.f32 $-1.000000000e+01, v21;
	v27 =	vor.u32 $0x100, v24;
	v30 =	vld.idx.msk [tilespmem:v0+s8+$0x0], $0xffff  }
0x4c: {  	v22 =	vmul.f32 $-1.000000000e+01, v22;
	v21 =	vld.idx.msk [tilespmem:v24+s8+$0x0], $0xffff  }
0x4d: {  	v24 =	vld.idx.msk [tilespmem:v1+s8+$0x0], $0xffff;
	v23 =	vmul.f32 $1.442695020e+00, v23  }
0x4e: {  	v32 =	vsub.f32 v12, v25;
	v33 =	vsub.f32 v13, v25;
	v31 =	vmul.f32 $1.442695020e+00, v22;
	v22 =	vld.idx.msk [tilespmem:v28+s8+$0x0], $0xffff  }
0x4f: {  	v35 =	vld.idx.msk [tilespmem:v5+s8+$0x0], $0xffff;
	v28 =	vsub.f32 v14, v26;
	v34 =	vsub.f32 v19, v26;
	(erf) = vpow2.f32 v23  }
0x50: {  	(erf) = vpow2.f32 v31;
	v31 =	vsub.f32 v18, v29;
	v23 =	vld.idx.msk [tilespmem:v27+s8+$0x0], $0xffff;
	v17 =	vsub.f32 v17, v30  }
0x51: {  	v27 =	vsub.f32 v20, v29;
	v29 =	vsub.f32 v21, v29  }
0x52: {  	v53 =	vmul.f32 v34, v34;
	v16 =	vsub.f32 v16, v24;
	v17 =	vmul.f32 v17, v17  }
0x53: {  	v24 =	vmul.f32 v27, v27;
	v26 =	vsub.f32 v22, v26;
	v27 =	vmul.f32 v29, v29  }
0x54: {  	v15 =	vsub.f32 v15, v35;
	v16 =	vmul.f32 v16, v16;
	v17 =	vadd.f32 $9.999999960e-13, v17  }
0x55: {  	v26 =	vmul.f32 v26, v26;
	v27 =	vadd.f32 $9.999999960e-13, v27;
	v25 =	vsub.f32 v23, v25  }
0x56: {  	v29 =	vmul.f32 v31, v31;
	v15 =	vmul.f32 v15, v15;
	v16 =	vadd.f32 v16, v17  }
0x57: {  	v17 =	vadd.f32 $9.999999960e-13, v24;
	v24 =	vadd.f32 v26, v27;
	v25 =	vmul.f32 v25, v25  }
0x58: {  	v26 =	vmul.f32 v28, v28;
	v27 =	vadd.f32 $9.999999960e-13, v29;
	v15 =	vadd.f32 v15, v16  }
0x59: {  	v30 =	vmul.f32 v33, v33;
	v31 =	vpop (erf);
	v17 =	vadd.f32 v53, v17;
	v24 =	vadd.f32 v25, v24  }
0x5a: {  	v16 =	vmul.f32 v32, v32;
	v25 =	vadd.f32 v26, v27;
	v31 =	vadd.f32 $1.000000050e-03, v31  }
0x5b: {  	v26 =	vshra.s32 v15, $0x1;
	v27 =	vmul.f32 $5.000000000e-01, v15;
	v28 =	vshra.s32 v24, $0x1  }
0x5c: {  	v29 =	vmul.f32 $5.000000000e-01, v24;
	v17 =	vadd.f32 v30, v17;
	v26 =	vsub.s32 $0x5F3759DF, v26  }
0x5d: {  	v54 =	vpop (erf);
	v16 =	vadd.f32 v16, v25;
	v28 =	vsub.s32 $0x5F3759DF, v28;
	v30 =	vmul.f32 v26, v27  }
0x5e: {  	v32 =	vadd.f32 $1.000000050e-03, v54;
	[tilespmem:s21+$0xFFFFFFF0] =	vst v31;
	v25 =	vmul.f32 v28, v29;
	v55 =	vshra.s32 v17, $0x1  }
0x5f: {  	v58 =	vld.idx.msk [tilespmem:v0+s8+$0x0], $0xffff;
	v56 =	vshra.s32 v16, $0x1;
	v57 =	vmul.f32 $5.000000000e-01, v17;
	v30 =	vmul.f32 v26, v30  }
0x60: {  	v31 =	vmul.f32 $5.000000000e-01, v16;
	v33 =	vsub.s32 $0x5F3759DF, v55;
	v25 =	vmul.f32 v28, v25  }
0x61: {  	v34 =	vsub.s32 $0x5F3759DF, v56;
	v36 =	vmul.f32 v33, v57;
	v30 =	vsub.f32 $1.500000000e+00, v30  }
0x62: {  	[tilespmem:s21+$0xFFFFFF70] =	vst v32;
	v59 =	vld.idx.msk [tilespmem:v1+s8+$0x0], $0xffff;
	v38 =	vmul.f32 v34, v31;
	v25 =	vsub.f32 $1.500000000e+00, v25  }
0x63: {  	v37 =	vld.idx.msk [tilespmem:v0+s8+$0x0], $0xffff;
	v26 =	vmul.f32 v26, v30;
	v30 =	vmul.f32 v33, v36  }
0x64: {  	v11 =	vsub.f32 v11, v58;
	v25 =	vmul.f32 v28, v25;
	v28 =	vmul.f32 v34, v38  }
0x65: {  	v27 =	vmul.f32 v26, v27;
	v30 =	vsub.f32 $1.500000000e+00, v30  }
0x66: {  	v39 =	vld.idx.msk [tilespmem:v1+s8+$0x0], $0xffff;
	v11 =	vmul.f32 v11, v11;
	v29 =	vmul.f32 v25, v29;
	v28 =	vsub.f32 $1.500000000e+00, v28  }
0x67: {  	v9 =	vsub.f32 v9, v59;
	v27 =	vmul.f32 v27, v26;
	v30 =	vmul.f32 v33, v30  }
0x68: {  	v10 =	vsub.f32 v10, v37;
	v29 =	vmul.f32 v29, v25;
	v28 =	vmul.f32 v34, v28  }
0x69: {  	v9 =	vmul.f32 v9, v9;
	v27 =	vsub.f32 $1.500000000e+00, v27;
	v61 =	vmul.f32 v30, v57  }
0x6a: {  	v10 =	vmul.f32 v10, v10;
	v29 =	vsub.f32 $1.500000000e+00, v29;
	v31 =	vmul.f32 v28, v31  }
0x6b: {  	s26 =	simm.s32 $0x6;
	v8 =	vsub.f32 v8, v39;
	v26 =	vmul.f32 v27, v26;
	v32 =	vmul.f32 v61, v30  }
0x6c: {  	v60 =	vmov s26;
	v27 =	vld.idx.msk [tilespmem:v5+s8+$0x0], $0xffff;
	v25 =	vmul.f32 v29, v25;
	v31 =	vmul.f32 v31, v28  }
0x6d: {  	v8 =	vmul.f32 v8, v8;
	v15 =	vmul.f32 v26, v15;
	v26 =	vsub.f32 $1.500000000e+00, v32  }
0x6e: {  	v11 =	vadd.f32 $9.999999960e-13, v11;
	v29 =	vld.idx.msk [tilespmem:v5+s8+$0x0], $0xffff;
	v24 =	vmul.f32 v25, v24;
	v25 =	vsub.f32 $1.500000000e+00, v31  }
0x6f: {  	v10 =	vadd.f32 $9.999999960e-13, v10;
	v15 =	vmul.f32 $-1.000000000e+01, v15;
	v26 =	vmul.f32 v26, v30  }
0x70: {  	v9 =	vadd.f32 v9, v11;
	v24 =	vmul.f32 $-1.000000000e+01, v24;
	v25 =	vmul.f32 v25, v28  }
0x71: {  	v7 =	vsub.f32 v7, v27;
	v15 =	vmul.f32 $1.442695020e+00, v15;
	v17 =	vmul.f32 v26, v17  }
0x72: {  	v10 =	vadd.f32 v8, v10;
	v24 =	vmul.f32 $1.442695020e+00, v24;
	v11 =	vmul.f32 v25, v16  }
0x73: {  	v6 =	vsub.f32 v6, v29;
	v7 =	vmul.f32 v7, v7;
	(erf) = vpow2.f32 v15  }
0x74: {  	v16 =	vor.u32 $0x100, v60;
	v15 =	vmul.f32 $-1.000000000e+01, v17;
	(erf) = vpow2.f32 v24  }
0x75: {  	s28 =	simm.s32 $0x7;
	v6 =	vmul.f32 v6, v6;
	v8 =	vmul.f32 $-1.000000000e+01, v11;
	v11 =	vor.u32 $0x80, v60  }
0x76: {  	v62 =	vld.idx.msk [tilespmem:v4+s8+$0x0], $0xffff;
	v17 =	vmov s28;
	v15 =	vmul.f32 $1.442695020e+00, v15  }
0x77: {  	v49 =	vld.idx.msk [tilespmem:v2+s8+$0x0], $0xffff;
	v26 =	vor.u32 $0x100, v17;
	v24 =	vadd.f32 v7, v9;
	v27 =	vadd.f32 v6, v10  }
0x78: {  	v25 =	vmul.f32 $1.442695020e+00, v8;
	v8 =	vld.idx.msk [tilespmem:v60+s8+$0x0], $0xffff;
	(erf) = vpow2.f32 v15;
	v15 =	vor.u32 $0x80, v17  }
0x79: {  	v6 =	vld.idx.msk [tilespmem:v16+s8+$0x0], $0xffff  }
0x7a: {  	v9 =	vshra.s32 v24, $0x1;
	v16 =	vmul.f32 $5.000000000e-01, v24;
	v10 =	vshra.s32 v27, $0x1;
	v7 =	vld.idx.msk [tilespmem:v11+s8+$0x0], $0xffff  }
0x7b: {  	v29 =	vmul.f32 $5.000000000e-01, v27;
	(erf) = vpow2.f32 v25;
	v25 =	vsub.s32 $0x5F3759DF, v9;
	v11 =	vld.idx.msk [tilespmem:v17+s8+$0x0], $0xffff  }
0x7c: {  	s29 =	simm.s32 $0x8;
	v17 =	vsub.s32 $0x5F3759DF, v10;
	v28 =	vmul.f32 v25, v16;
	v9 =	vld.idx.msk [tilespmem:v26+s8+$0x0], $0xffff;
	v26 =	vpop (erf)  }
0x7d: {  	v30 =	vmul.f32 v17, v29;
	v10 =	vld.idx.msk [tilespmem:v15+s8+$0x0], $0xffff;
	v15 =	vmov s29;
	v31 =	vpop (erf)  }
0x7e: {  	v63 =	vld.idx.msk [tilespmem:v3+s8+$0x0], $0xffff;
	v28 =	vmul.f32 v25, v28;
	v31 =	vadd.f32 $1.000000050e-03, v31  }
0x7f: {  	s22 =	simm.s32 $0x1810;
	v30 =	vmul.f32 v17, v30  }
0x80: {  	v47 =	vor.u32 $0x80, v15;
	v48 =	vsub.f32 $1.500000000e+00, v28;
	[tilespmem:s22+$0x70] =	vst v31  }
0x81: {  	v30 =	vsub.f32 $1.500000000e+00, v30;
	v50 =	vor.u32 $0x100, v15;
	v51 =	vld.idx.msk [tilespmem:v0+s8+$0x0], $0xffff  }
0x82: {  	v43 =	vsub.f32 v8, v49;
	v28 =	vadd.f32 $1.000000050e-03, v26;
	v26 =	vmul.f32 v25, v48;
	v15 =	vld.idx.msk [tilespmem:v15+s8+$0x0], $0xffff  }
0x83: {  	v55 =	vsub.f32 v7, v63;
	v40 =	vsub.f32 v9, v62;
	v25 =	vmul.f32 v17, v30;
	v30 =	vld.idx.msk [tilespmem:v1+s8+$0x0], $0xffff  }
0x84: {  	v54 =	vsub.f32 v6, v62;
	v57 =	vmul.f32 v43, v43;
	v16 =	vmul.f32 v26, v16;
	v42 =	vld.idx.msk [tilespmem:v5+s8+$0x0], $0xffff  }
0x85: {  	v45 =	vsub.f32 v11, v49;
	v34 =	vmul.f32 v55, v55;
	v58 =	vmul.f32 v40, v40;
	v31 =	vpop (erf);
	v17 =	vld.idx.msk [tilespmem:v47+s8+$0x0], $0xffff  }
0x86: {  	v41 =	vsub.f32 v10, v63;
	v31 =	vadd.f32 $1.000000050e-03, v31;
	v52 =	vpop (erf);
	v44 =	vmul.f32 v16, v26;
	v16 =	vld.idx.msk [tilespmem:v50+s8+$0x0], $0xffff  }
0x87: {  	v29 =	vmul.f32 v25, v29;
	v53 =	vadd.f32 $1.000000050e-03, v52;
	v21 =	vsub.f32 v21, v51  }
0x88: {  	v36 =	vsub.f32 v15, v49;
	v22 =	vsub.f32 v22, v30;
	v30 =	vmul.f32 v45, v45  }
0x89: {  	v56 =	vmul.f32 v41, v41;
	v23 =	vsub.f32 v23, v42;
	[tilespmem:s22+$0xFFFFFF70] =	vst v53;
	v21 =	vmul.f32 v21, v21  }
0x8a: {  	v33 =	vsub.f32 v17, v63;
	v63 =	vld.idx.msk [tilespmem:v0+s8+$0x0], $0xffff;
	v36 =	vmul.f32 v36, v36;
	v30 =	vadd.f32 $9.999999960e-13, v30  }
0x8b: {  	v22 =	vmul.f32 v22, v22;
	v32 =	vsub.f32 v16, v62;
	v21 =	vadd.f32 $9.999999960e-13, v21  }
0x8c: {  	v33 =	vmul.f32 v33, v33;
	v36 =	vadd.f32 $9.999999960e-13, v36;
	v30 =	vadd.f32 v56, v30  }
0x8d: {  	v21 =	vadd.f32 v22, v21;
	v22 =	vmul.f32 v23, v23;
	v23 =	vadd.f32 $9.999999960e-13, v57  }
0x8e: {  	v32 =	vmul.f32 v32, v32;
	v33 =	vadd.f32 v33, v36;
	v30 =	vadd.f32 v58, v30  }
0x8f: {  	v29 =	vmul.f32 v29, v25;
	v18 =	vsub.f32 v18, v63;
	v21 =	vadd.f32 v22, v21  }
0x90: {  	v22 =	vmul.f32 v54, v54;
	v23 =	vadd.f32 v34, v23;
	v32 =	vadd.f32 v32, v33  }
0x91: {  	v48 =	vshra.s32 v30, $0x1;
	v59 =	vshra.s32 v21, $0x1;
	v60 =	vmul.f32 $5.000000000e-01, v21  }
0x92: {  	[tilespmem:s22+$0xFFFFFFF0] =	vst v31;
	v47 =	vld.idx.msk [tilespmem:v1+s8+$0x0], $0xffff;
	v31 =	vshra.s32 v32, $0x1;
	v61 =	vmul.f32 $5.000000000e-01, v32;
	v33 =	vsub.s32 $0x5F3759DF, v59  }
0x93: {  	v22 =	vadd.f32 v22, v23;
	v23 =	vsub.s32 $0x5F3759DF, v31;
	v31 =	vmul.f32 v33, v60  }
0x94: {  	v62 =	vld.idx.msk [tilespmem:v0+s8+$0x0], $0xffff;
	v49 =	vmul.f32 $5.000000000e-01, v30;
	v38 =	vsub.s32 $0x5F3759DF, v48;
	v50 =	vmul.f32 v23, v61  }
0x95: {  	v51 =	vmul.f32 $5.000000000e-01, v22;
	v52 =	vshra.s32 v22, $0x1;
	v31 =	vmul.f32 v33, v31  }
0x96: {  	v53 =	vmul.f32 v38, v49;
	v42 =	vsub.s32 $0x5F3759DF, v52;
	v40 =	vmul.f32 v23, v50  }
0x97: {  	v14 =	vsub.f32 v14, v47;
	v46 =	vmul.f32 v42, v51;
	v31 =	vsub.f32 $1.500000000e+00, v31  }
0x98: {  	v18 =	vmul.f32 v18, v18;
	v43 =	vmul.f32 v38, v53;
	v40 =	vsub.f32 $1.500000000e+00, v40  }
0x99: {  	v20 =	vsub.f32 v20, v62;
	v55 =	vmul.f32 v42, v46;
	v31 =	vmul.f32 v33, v31  }
0x9a: {  	v14 =	vmul.f32 v14, v14;
	v56 =	vsub.f32 $1.500000000e+00, v43;
	v23 =	vmul.f32 v23, v40  }
0x9b: {  	v54 =	vld.idx.msk [tilespmem:v1+s8+$0x0], $0xffff;
	v20 =	vmul.f32 v20, v20;
	v33 =	vsub.f32 $1.500000000e+00, v55;
	v34 =	vmul.f32 v31, v60  }
0x9c: {  	v59 =	vld.idx.msk [tilespmem:v5+s8+$0x0], $0xffff;
	v35 =	vmul.f32 v38, v56;
	v36 =	vmul.f32 v23, v61  }
0x9d: {  	v33 =	vmul.f32 v42, v33;
	v34 =	vmul.f32 v34, v31  }
0x9e: {  	v18 =	vadd.f32 $9.999999960e-13, v18;
	v39 =	vmul.f32 v35, v49;
	v36 =	vmul.f32 v36, v23  }
0x9f: {  	v20 =	vadd.f32 $9.999999960e-13, v20;
	v41 =	vmul.f32 v33, v51;
	v34 =	vsub.f32 $1.500000000e+00, v34  }
0xa0: {  	v19 =	vsub.f32 v19, v54;
	v39 =	vmul.f32 v39, v35;
	v36 =	vsub.f32 $1.500000000e+00, v36  }
0xa1: {  	v12 =	vsub.f32 v12, v59;
	v60 =	vmul.f32 v41, v33;
	v31 =	vmul.f32 v34, v31  }
0xa2: {  	v19 =	vmul.f32 v19, v19;
	v39 =	vsub.f32 $1.500000000e+00, v39;
	v23 =	vmul.f32 v36, v23  }
0xa3: {  	v12 =	vmul.f32 v12, v12;
	v21 =	vmul.f32 v31, v21;
	v31 =	vsub.f32 $1.500000000e+00, v60  }
0xa4: {  	v58 =	vld.idx.msk [tilespmem:v5+s8+$0x0], $0xffff;
	v19 =	vadd.f32 v19, v20;
	v61 =	vmul.f32 v39, v35;
	v20 =	vmul.f32 v23, v32  }
0xa5: {  	v14 =	vadd.f32 v14, v18;
	v21 =	vmul.f32 $-1.000000000e+01, v21;
	v18 =	vmul.f32 v31, v33  }
0xa6: {  	s30 =	simm.s32 $0x9;
	v29 =	vsub.f32 $1.500000000e+00, v29;
	v23 =	vmul.f32 v61, v30;
	v20 =	vmul.f32 $-1.000000000e+01, v20  }
0xa7: {  	s31 =	simm.s32 $0xA;
	v57 =	vmov s30;
	v21 =	vmul.f32 $1.442695020e+00, v21;
	v18 =	vmul.f32 v18, v22  }
0xa8: {  	v62 =	vmov s31;
	v22 =	vmul.f32 $-1.000000000e+01, v23;
	v20 =	vmul.f32 $1.442695020e+00, v20  }
0xa9: {  	v13 =	vsub.f32 v13, v58;
	(erf) = vpow2.f32 v21;
	v18 =	vmul.f32 $-1.000000000e+01, v18  }
0xaa: {  	v23 =	vor.u32 $0x100, v57;
	v22 =	vmul.f32 $1.442695020e+00, v22;
	(erf) = vpow2.f32 v20  }
0xab: {  	v13 =	vmul.f32 v13, v13;
	v21 =	vor.u32 $0x80, v57;
	v18 =	vmul.f32 $1.442695020e+00, v18  }
0xac: {  	v12 =	vadd.f32 v12, v14;
	v30 =	vsub.f32 $1.500000000e+00, v44;
	(erf) = vpow2.f32 v22  }
0xad: {  	v63 =	vor.u32 $0x100, v62;
	v13 =	vadd.f32 v13, v19;
	(erf) = vpow2.f32 v18  }
0xae: {  	v34 =	vor.u32 $0x80, v62;
	v19 =	vmul.f32 v30, v26;
	v26 =	vshra.s32 v12, $0x1;
	v20 =	vld.idx.msk [tilespmem:v57+s8+$0x0], $0xffff  }
0xaf: {  	v22 =	vshra.s32 v13, $0x1;
	v14 =	vld.idx.msk [tilespmem:v23+s8+$0x0], $0xffff;
	v23 =	vmul.f32 $5.000000000e-01, v13;
	v18 =	vmul.f32 v29, v25  }
0xb0: {  	v29 =	vmul.f32 v19, v24;
	v24 =	vmul.f32 $5.000000000e-01, v12;
	v25 =	vsub.s32 $0x5F3759DF, v22;
	v19 =	vld.idx.msk [tilespmem:v21+s8+$0x0], $0xffff  }
0xb1: {  	v26 =	vsub.s32 $0x5F3759DF, v26;
	v21 =	vld.idx.msk [tilespmem:v62+s8+$0x0], $0xffff;
	v31 =	vmul.f32 v25, v23;
	v33 =	vmul.f32 v18, v27  }
0xb2: {  	s2 =	simm.s32 $0xB;
	s0 =	simm.s32 $0x1810;
	s1 =	simm.s32 $0xC;
	[tilespmem:s21+$0x80] =	vst v28;
	v18 =	vld.idx.msk [tilespmem:v63+s8+$0x0], $0xffff;
	v27 =	vmul.f32 v26, v24;
	v32 =	vmul.f32 $-1.000000000e+01, v29;
	v22 =	vpop (erf)  }
.LBB2_2:
0xb3: {  	p0 =	slt.u32 s1, $0x12;
	v28 =	vld.idx.msk [tilespmem:v34+s8+$0x0], $0xffff;
	v29 =	vmov s2;
	v30 =	vpop (erf);
	v31 =	vmul.f32 v25, v31;
	v22 =	vadd.f32 $1.000000050e-03, v22  }
0xb4: {  	v33 =	vmul.f32 $-1.000000000e+01, v33;
	v34 =	vld.idx.msk [tilespmem:v4+s8+$0x0], $0xffff;
	v39 =	vadd.f32 $1.000000050e-03, v30;
	v27 =	vmul.f32 v26, v27  }
0xb5: {  	s0 =	sadd.s32 $0x180, s0;
	v36 =	vor.u32 $0x80, v29;
	v32 =	vmul.f32 $1.442695020e+00, v32;
	v35 =	vld.idx.msk [tilespmem:v3+s8+$0x0], $0xffff;
	v37 =	vpop (erf);
	v31 =	vsub.f32 $1.500000000e+00, v31;
	[tilespmem:s22+$0x80] =	vst v22  }
0xb6: {  	v33 =	vmul.f32 $1.442695020e+00, v33;
	v38 =	vld.idx.msk [tilespmem:v2+s8+$0x0], $0xffff;
	v22 =	vadd.f32 $1.000000050e-03, v37;
	[tilespmem:s0+$0x70] =	vst v39;
	v30 =	vpop (erf);
	v27 =	vsub.f32 $1.500000000e+00, v27  }
0xb7: {  	v37 =	vor.u32 $0x100, v29;
	v30 =	vadd.f32 $1.000000050e-03, v30;
	v39 =	vld.idx.msk [tilespmem:v0+s8+$0x0], $0xffff;
	v25 =	vmul.f32 v25, v31  }
0xb8: {  	v29 =	vld.idx.msk [tilespmem:v29+s8+$0x0], $0xffff;
	[tilespmem:s0+$0xFFFFFFF0] =	vst v22;
	v22 =	vmul.f32 v26, v27;
	(erf) = vpow2.f32 v32  }
0xb9: {  	[tilespmem:s0+$0xFFFFFF70] =	vst v30;
	v26 =	vld.idx.msk [tilespmem:v1+s8+$0x0], $0xffff;
	v23 =	vmul.f32 v25, v23;
	(erf) = vpow2.f32 v33  }
0xba: {  	v27 =	vsub.f32 v14, v34;
	v30 =	vsub.f32 v18, v34;
	v31 =	vld.idx.msk [tilespmem:v36+s8+$0x0], $0xffff;
	v24 =	vmul.f32 v22, v24  }
0xbb: {  	v32 =	vsub.f32 v19, v35;
	v33 =	vsub.f32 v28, v35;
	v36 =	vld.idx.msk [tilespmem:v5+s8+$0x0], $0xffff;
	v23 =	vmul.f32 v23, v25  }
0xbc: {  	v40 =	vsub.f32 v20, v38;
	v41 =	vsub.f32 v21, v38;
	v30 =	vmul.f32 v30, v30;
	v37 =	vld.idx.msk [tilespmem:v37+s8+$0x0], $0xffff  }
0xbd: {  	v32 =	vmul.f32 v32, v32;
	v33 =	vmul.f32 v33, v33;
	v45 =	vsub.f32 v15, v39;
	v42 =	vld.idx.msk [tilespmem:v0+s8+$0x0], $0xffff  }
0xbe: {  	v39 =	vmul.f32 v40, v40;
	v40 =	vmul.f32 v41, v41;
	v38 =	vsub.f32 v29, v38;
	v41 =	vld.idx.msk [tilespmem:v0+s8+$0x0], $0xffff  }
0xbf: {  	v27 =	vmul.f32 v27, v27;
	v44 =	vmul.f32 v45, v45;
	v17 =	vsub.f32 v17, v26;
	v43 =	vld.idx.msk [tilespmem:v1+s8+$0x0], $0xffff  }
0xc0: {  	v15 =	vmovc v29;
	v26 =	vadd.f32 $9.999999960e-13, v40;
	v38 =	vmul.f32 v38, v38;
	v35 =	vsub.f32 v31, v35;
	v40 =	vld.idx.msk [tilespmem:v1+s8+$0x0], $0xffff  }
0xc1: {  	v44 =	vadd.f32 $9.999999960e-13, v44;
	v48 =	vmul.f32 v17, v17;
	v49 =	vsub.f32 v16, v36;
	v29 =	vld.idx.msk [tilespmem:v5+s8+$0x0], $0xffff;
	v36 =	vpop (erf)  }
0xc2: {  	v38 =	vadd.f32 $9.999999960e-13, v38;
	v35 =	vmul.f32 v35, v35;
	v34 =	vsub.f32 v37, v34;
	v45 =	vld.idx.msk [tilespmem:v5+s8+$0x0], $0xffff;
	v46 =	vpop (erf)  }
0xc3: {  	v39 =	vadd.f32 $9.999999960e-13, v39;
	v16 =	vmovc v37;
	v44 =	vadd.f32 v48, v44;
	v47 =	vmul.f32 v49, v49;
	v17 =	vmovc v31  }
0xc4: {  	v26 =	vadd.f32 v33, v26;
	v31 =	vadd.f32 v35, v38;
	v33 =	vmul.f32 v34, v34  }
0xc5: {  	v32 =	vadd.f32 v32, v39;
	v35 =	vmul.f32 v24, v22;
	v34 =	vadd.f32 v47, v44  }
0xc6: {  	v24 =	vmov s1;
	v26 =	vadd.f32 v30, v26;
	v30 =	vadd.f32 v33, v31  }
0xc7: {  	v27 =	vadd.f32 v27, v32;
	v31 =	vshra.s32 v34, $0x1;
	v32 =	vmul.f32 $5.000000000e-01, v34  }
0xc8: {  	v33 =	vshra.s32 v30, $0x1;
	v37 =	vmul.f32 $5.000000000e-01, v30;
	v31 =	vsub.s32 $0x5F3759DF, v31  }
0xc9: {  	v38 =	vshra.s32 v26, $0x1;
	v33 =	vsub.s32 $0x5F3759DF, v33;
	v39 =	vmul.f32 v31, v32  }
0xca: {  	v44 =	vshra.s32 v27, $0x1;
	v47 =	vmul.f32 $5.000000000e-01, v26;
	v48 =	vmul.f32 v33, v37  }
0xcb: {  	v49 =	vmul.f32 $5.000000000e-01, v27;
	v38 =	vsub.s32 $0x5F3759DF, v38;
	v39 =	vmul.f32 v31, v39  }
0xcc: {  	v44 =	vsub.s32 $0x5F3759DF, v44;
	v50 =	vmul.f32 v38, v47;
	v48 =	vmul.f32 v33, v48  }
0xcd: {  	v42 =	vsub.f32 v11, v42;
	v11 =	vmovc v21;
	v51 =	vmul.f32 v44, v49;
	v39 =	vsub.f32 $1.500000000e+00, v39  }
0xce: {  	v41 =	vsub.f32 v8, v41;
	v8 =	vmovc v20;
	v21 =	vmul.f32 v38, v50;
	v48 =	vsub.f32 $1.500000000e+00, v48  }
0xcf: {  	v43 =	vsub.f32 v10, v43;
	v10 =	vmovc v28;
	v20 =	vmul.f32 v44, v51;
	v31 =	vmul.f32 v31, v39  }
0xd0: {  	v21 =	vsub.f32 $1.500000000e+00, v21;
	v28 =	vmul.f32 v33, v48;
	v33 =	vmul.f32 v42, v42  }
0xd1: {  	v20 =	vsub.f32 $1.500000000e+00, v20;
	v39 =	vmul.f32 v41, v41;
	v32 =	vmul.f32 v31, v32  }
0xd2: {  	v21 =	vmul.f32 v38, v21;
	v38 =	vsub.f32 v7, v40;
	v7 =	vmovc v19;
	v37 =	vmul.f32 v28, v37  }
0xd3: {  	v19 =	vmul.f32 v44, v20;
	v20 =	vadd.f32 $9.999999960e-13, v33;
	v32 =	vmul.f32 v32, v31  }
0xd4: {  	v39 =	vadd.f32 $9.999999960e-13, v39;
	v33 =	vmul.f32 v21, v47;
	v37 =	vmul.f32 v37, v28  }
0xd5: {  	v41 =	vmul.f32 v43, v43;
	v40 =	vmul.f32 v19, v49;
	v32 =	vsub.f32 $1.500000000e+00, v32  }
0xd6: {  	v38 =	vmul.f32 v38, v38;
	v33 =	vmul.f32 v33, v21;
	v37 =	vsub.f32 $1.500000000e+00, v37  }
0xd7: {  	v29 =	vsub.f32 v9, v29;
	v9 =	vmovc v18;
	v40 =	vmul.f32 v40, v19;
	v31 =	vmul.f32 v32, v31  }
0xd8: {  	v18 =	vsub.f32 $1.500000000e+00, v33;
	v32 =	vsub.f32 v6, v45;
	v6 =	vmovc v14;
	v28 =	vmul.f32 v37, v28  }
0xd9: {  	v20 =	vadd.f32 v41, v20;
	v14 =	vsub.f32 $1.500000000e+00, v40;
	v31 =	vmul.f32 v31, v34  }
0xda: {  	v18 =	vmul.f32 v18, v21;
	v21 =	vmul.f32 v28, v30;
	v28 =	vadd.f32 v38, v39  }
0xdb: {  	v23 =	vsub.f32 $1.500000000e+00, v23;
	v14 =	vmul.f32 v14, v19;
	v19 =	vmul.f32 $-1.000000000e+01, v31  }
0xdc: {  	v18 =	vmul.f32 v18, v26;
	v26 =	vsub.f32 $1.500000000e+00, v35;
	v21 =	vmul.f32 $-1.000000000e+01, v21  }
0xdd: {  	v14 =	vmul.f32 v14, v27;
	v27 =	vadd.f32 $1.000000050e-03, v36;
	v19 =	vmul.f32 $1.442695020e+00, v19  }
0xde: {  	v30 =	vadd.f32 $1.000000050e-03, v46;
	v18 =	vmul.f32 $-1.000000000e+01, v18;
	v21 =	vmul.f32 $1.442695020e+00, v21  }
0xdf: {  	v31 =	vor.u32 $0x100, v24;
	v14 =	vmul.f32 $-1.000000000e+01, v14;
	(erf) = vpow2.f32 v19;
	[tilespmem:s21+$0x0] =	vst v27  }
0xe0: {  	s2 =	sadd.s32 $0x1, s1;
	v18 =	vmul.f32 $1.442695020e+00, v18;
	v19 =	vor.u32 $0x80, v24;
	(erf) = vpow2.f32 v21;
	[tilespmem:s21+$0xFFFFFF80] =	vst v30;
	s21 =	smov.u32 s22;
	s22 =	smov.u32 s0  }
0xe1: {  	v14 =	vmul.f32 $1.442695020e+00, v14;
	v27 =	vmul.f32 v29, v29;
	v21 =	vmov s2  }
0xe2: {  	v29 =	vor.u32 $0x100, v21;
	(erf) = vpow2.f32 v18;
	v18 =	vmul.f32 v32, v32  }
0xe3: {  	v25 =	vmul.f32 v23, v25;
	v27 =	vadd.f32 v27, v20;
	(erf) = vpow2.f32 v14  }
.Ltmp0:
0xe4: {  	v22 =	vmul.f32 v26, v22;
	v34 =	vor.u32 $0x80, v21;
	v20 =	vld.idx.msk [tilespmem:v24+s8+$0x0], $0xffff;
	v18 =	vadd.f32 v18, v28;
	(pc) =	sbr.rel @p0 .LBB2_2-.Ltmp0, $4  }
0xe5: {  	v26 =	vshra.s32 v27, $0x1;
	v23 =	vmul.f32 $5.000000000e-01, v27;
	v28 =	vmul.f32 v25, v13;
	v13 =	vmovc v27;
	v14 =	vld.idx.msk [tilespmem:v31+s8+$0x0], $0xffff  }
0xe6: {  	v25 =	vsub.s32 $0x5F3759DF, v26;
	v19 =	vld.idx.msk [tilespmem:v19+s8+$0x0], $0xffff;
	v27 =	vshra.s32 v18, $0x1;
	v24 =	vmul.f32 $5.000000000e-01, v18  }
0xe7: {  	v33 =	vmul.f32 v22, v12;
	v31 =	vmul.f32 v25, v23;
	v12 =	vmovc v18;
	v21 =	vld.idx.msk [tilespmem:v21+s8+$0x0], $0xffff;
	v26 =	vsub.s32 $0x5F3759DF, v27  }
0xe8: {  	s2 =	sadd.s32 $0x2, s1;
	s1 =	sadd.s32 $0x3, s1;
	v32 =	vmul.f32 $-1.000000000e+01, v28;
	v18 =	vld.idx.msk [tilespmem:v29+s8+$0x0], $0xffff;
	v27 =	vmul.f32 v26, v24;
	v22 =	vpop (erf)  }
0xe9: {  	_ =	sdelay $0x2  }
0xea: {  	v28 =	vmov s2;
	v29 =	vpop (erf)  }
0xeb: {  	v35 =	vld.idx.msk [tilespmem:v4+s8+$0x0], $0xffff;
	v29 =	vadd.f32 $1.000000050e-03, v29  }
0xec: {  	v36 =	vld.idx.msk [tilespmem:v3+s8+$0x0], $0xffff;
	s0 =	sadd.s32 $0x180, s0;
	v37 =	vor.u32 $0x80, v28  }
0xed: {  	v38 =	vld.idx.msk [tilespmem:v2+s8+$0x0], $0xffff;
	[tilespmem:s0+$0x70] =	vst v29  }
0xee: {  	v39 =	vor.u32 $0x100, v28;
	v40 =	vld.idx.msk [tilespmem:v0+s8+$0x0], $0xffff  }
0xef: {  	v30 =	vld.idx.msk [tilespmem:v28+s8+$0x0], $0xffff  }
0xf0: {  	v41 =	vld.idx.msk [tilespmem:v1+s8+$0x0], $0xffff  }
0xf1: {  	v29 =	vld.idx.msk [tilespmem:v37+s8+$0x0], $0xffff  }
0xf2: {  	v63 =	vld.idx.msk [tilespmem:v5+s8+$0x0], $0xffff  }
0xf3: {  	v28 =	vld.idx.msk [tilespmem:v39+s8+$0x0], $0xffff;
	v15 =	vsub.f32 v15, v40  }
0xf4: {  	v52 =	vsub.f32 v21, v38;
	v44 =	vsub.f32 v30, v38  }
0xf5: {  	v17 =	vsub.f32 v17, v41;
	v40 =	vmul.f32 v15, v15  }
0xf6: {  	v37 =	vmul.f32 v52, v52;
	v15 =	vld.idx.msk [tilespmem:v34+s8+$0x0], $0xffff;
	v46 =	vsub.f32 v29, v36;
	v45 =	vmul.f32 v44, v44  }
0xf7: {  	v16 =	vsub.f32 v16, v63;
	v17 =	vmul.f32 v17, v17;
	v40 =	vadd.f32 $9.999999960e-13, v40  }
0xf8: {  	v48 =	vsub.f32 v28, v35;
	v47 =	vmul.f32 v46, v46;
	v34 =	vadd.f32 $9.999999960e-13, v45  }
0xf9: {  	v49 =	vsub.f32 v14, v35;
	v16 =	vmul.f32 v16, v16;
	v17 =	vadd.f32 v17, v40  }
0xfa: {  	v37 =	vadd.f32 $9.999999960e-13, v37;
	v50 =	vmul.f32 v48, v48;
	v34 =	vadd.f32 v47, v34  }
0xfb: {  	v51 =	vsub.f32 v15, v36;
	v16 =	vadd.f32 v16, v17  }
0xfc: {  	v36 =	vsub.f32 v19, v36;
	v34 =	vadd.f32 v50, v34  }
0xfd: {  	v17 =	vsub.f32 v20, v38;
	v53 =	vshra.s32 v16, $0x1;
	v54 =	vmul.f32 $5.000000000e-01, v16  }
0xfe: {  	v42 =	vshra.s32 v34, $0x1;
	v43 =	vmul.f32 $5.000000000e-01, v34;
	v38 =	vsub.s32 $0x5F3759DF, v53  }
0xff: {  	v17 =	vmul.f32 v17, v17;
	v42 =	vsub.s32 $0x5F3759DF, v42;
	v44 =	vmul.f32 v38, v54  }
0x100: {  	v35 =	vsub.f32 v18, v35;
	v39 =	vmul.f32 v51, v51;
	v45 =	vmul.f32 v42, v43  }
0x101: {  	v36 =	vmul.f32 v36, v36;
	v17 =	vadd.f32 $9.999999960e-13, v17;
	v44 =	vmul.f32 v38, v44  }
0x102: {  	v35 =	vmul.f32 v35, v35;
	v37 =	vadd.f32 v39, v37;
	v45 =	vmul.f32 v42, v45  }
0x103: {  	v41 =	vmul.f32 v49, v49;
	v17 =	vadd.f32 v36, v17;
	v55 =	vsub.f32 $1.500000000e+00, v44  }
0x104: {  	v35 =	vadd.f32 v35, v37;
	v56 =	vsub.f32 $1.500000000e+00, v45  }
0x105: {  	v17 =	vadd.f32 v41, v17;
	v57 =	vmul.f32 v38, v55  }
0x106: {  	v33 =	vmul.f32 $-1.000000000e+01, v33;
	v58 =	vshra.s32 v35, $0x1;
	v36 =	vmul.f32 v42, v56  }
0x107: {  	v60 =	vmul.f32 $5.000000000e-01, v35;
	v59 =	vshra.s32 v17, $0x1;
	v39 =	vmul.f32 v57, v54  }
0x108: {  	v61 =	vmul.f32 $5.000000000e-01, v17;
	v38 =	vsub.s32 $0x5F3759DF, v58;
	v42 =	vmul.f32 v36, v43  }
0x109: {  	v40 =	vsub.s32 $0x5F3759DF, v59;
	v62 =	vmul.f32 v38, v60;
	v39 =	vmul.f32 v39, v57  }
0x10a: {  	v63 =	vmul.f32 v40, v61;
	v42 =	vmul.f32 v42, v36  }
0x10b: {  	v32 =	vmul.f32 $1.442695020e+00, v32;
	v44 =	vmul.f32 v38, v62;
	v39 =	vsub.f32 $1.500000000e+00, v39  }
0x10c: {  	v33 =	vmul.f32 $1.442695020e+00, v33;
	v45 =	vmul.f32 v40, v63;
	v42 =	vsub.f32 $1.500000000e+00, v42  }
0x10d: {  	(erf) = vpow2.f32 v32;
	v47 =	vsub.f32 $1.500000000e+00, v44;
	v37 =	vmul.f32 v39, v57  }
0x10e: {  	(erf) = vpow2.f32 v33;
	v48 =	vsub.f32 $1.500000000e+00, v45;
	v36 =	vmul.f32 v42, v36  }
0x10f: {  	v32 =	vmul.f32 v38, v47;
	v16 =	vmul.f32 v37, v16  }
0x110: {  	v33 =	vmul.f32 v40, v48;
	v34 =	vmul.f32 v36, v34  }
0x111: {  	v49 =	vmul.f32 v32, v60;
	v16 =	vmul.f32 $-1.000000000e+01, v16  }
0x112: {  	v50 =	vmul.f32 v33, v61;
	v34 =	vmul.f32 $-1.000000000e+01, v34  }
0x113: {  	v36 =	vmul.f32 v49, v32;
	v16 =	vmul.f32 $1.442695020e+00, v16  }
0x114: {  	v34 =	vmul.f32 $1.442695020e+00, v34  }
0x115: {  	v37 =	vmul.f32 v50, v33;
	(erf) = vpow2.f32 v16;
	v16 =	vsub.f32 $1.500000000e+00, v36  }
0x116: {  	(erf) = vpow2.f32 v34  }
0x117: {  	v52 =	vpop (erf);
	v51 =	vsub.f32 $1.500000000e+00, v37;
	v16 =	vmul.f32 v16, v32  }
0x118: {  	v53 =	vadd.f32 $1.000000050e-03, v52;
	v54 =	vpop (erf)  }
0x119: {  	v55 =	vadd.f32 $1.000000050e-03, v54;
	v33 =	vmul.f32 v51, v33;
	v35 =	vmul.f32 v16, v35  }
0x11a: {  	v31 =	vmul.f32 v25, v31;
	[tilespmem:s0+$0xFFFFFFF0] =	vst v53  }
0x11b: {  	[tilespmem:s0+$0xFFFFFF70] =	vst v55;
	v57 =	vld.idx.msk [tilespmem:v0+s8+$0x0], $0xffff;
	v56 =	vmul.f32 v33, v17;
	v58 =	vmul.f32 $-1.000000000e+01, v35  }
0x11c: {  	v31 =	vsub.f32 $1.500000000e+00, v31;
	v59 =	vld.idx.msk [tilespmem:v0+s8+$0x0], $0xffff;
	v16 =	vpop (erf)  }
0x11d: {  	v61 =	vld.idx.msk [tilespmem:v1+s8+$0x0], $0xffff;
	v32 =	vmul.f32 $-1.000000000e+01, v56;
	v17 =	vpop (erf);
	v34 =	vmul.f32 $1.442695020e+00, v58  }
0x11e: {  	v25 =	vmul.f32 v25, v31;
	v62 =	vld.idx.msk [tilespmem:v1+s8+$0x0], $0xffff;
	v60 =	vmul.f32 v26, v27;
	v27 =	vpop (erf)  }
0x11f: {  	v31 =	vld.idx.msk [tilespmem:v5+s8+$0x0], $0xffff;
	v32 =	vmul.f32 $1.442695020e+00, v32;
	v63 =	vpop (erf);
	(erf) = vpow2.f32 v34  }
0x120: {  	v23 =	vmul.f32 v25, v23;
	v11 =	vsub.f32 v11, v57;
	v41 =	vadd.f32 $1.000000050e-03, v63  }
0x121: {  	s1 =	sadd.s32 $0x180, s0;
	v42 =	vld.idx.msk [tilespmem:v5+s8+$0x0], $0xffff;
	v8 =	vsub.f32 v8, v59;
	(erf) = vpow2.f32 v32  }
0x122: {  	v23 =	vmul.f32 v23, v25;
	v10 =	vsub.f32 v10, v61;
	v11 =	vmul.f32 v11, v11;
	[tilespmem:s1+$0x70] =	vst v41  }
0x123: {  	v7 =	vsub.f32 v7, v62;
	v8 =	vmul.f32 v8, v8;
	v36 =	vsub.f32 $1.500000000e+00, v60;
	v43 =	vld.idx.msk [tilespmem:v0+s8+$0x0], $0xffff  }
0x124: {  	v9 =	vsub.f32 v9, v31;
	v11 =	vadd.f32 $9.999999960e-13, v11;
	v10 =	vmul.f32 v10, v10  }
0x125: {  	v7 =	vmul.f32 v7, v7;
	v8 =	vadd.f32 $9.999999960e-13, v8;
	v26 =	vmul.f32 v26, v36;
	v34 =	vld.idx.msk [tilespmem:v1+s8+$0x0], $0xffff  }
0x126: {  	v9 =	vmul.f32 v9, v9;
	v6 =	vsub.f32 v6, v42;
	v10 =	vadd.f32 v10, v11  }
0x127: {  	v23 =	vsub.f32 $1.500000000e+00, v23;
	v7 =	vadd.f32 v7, v8;
	v24 =	vmul.f32 v26, v24;
	v11 =	vld.idx.msk [tilespmem:v5+s8+$0x0], $0xffff  }
0x128: {  	v6 =	vmul.f32 v6, v6;
	v9 =	vadd.f32 v9, v10;
	v8 =	vsub.f32 v30, v43;
	v30 =	vpop (erf)  }
0x129: {  	v10 =	vmul.f32 v23, v25;
	v24 =	vmul.f32 v24, v26;
	v30 =	vadd.f32 $1.000000050e-03, v30  }
0x12a: {  	v6 =	vadd.f32 v6, v7;
	v29 =	vsub.f32 v29, v34;
	v31 =	vpop (erf);
	v8 =	vmul.f32 v8, v8  }
0x12b: {  	v10 =	vmul.f32 v10, v13;
	v24 =	vsub.f32 $1.500000000e+00, v24;
	v31 =	vadd.f32 $1.000000050e-03, v31;
	[tilespmem:s1+$0xFFFFFFF0] =	vst v30  }
0x12c: {  	v11 =	vsub.f32 v28, v11;
	v29 =	vmul.f32 v29, v29;
	v8 =	vadd.f32 $9.999999960e-13, v8;
	v7 =	vld.idx.msk [tilespmem:v0+s8+$0x0], $0xffff  }
0x12d: {  	v10 =	vmul.f32 $-1.000000000e+01, v10;
	v23 =	vmul.f32 v24, v26;
	[tilespmem:s1+$0xFFFFFF70] =	vst v31;
	v28 =	vld.idx.msk [tilespmem:v1+s8+$0x0], $0xffff  }
0x12e: {  	v24 =	vshra.s32 v9, $0x1;
	v11 =	vmul.f32 v11, v11;
	v26 =	vld.idx.msk [tilespmem:v0+s8+$0x0], $0xffff;
	v8 =	vadd.f32 v29, v8  }
0x12f: {  	v25 =	vmul.f32 $5.000000000e-01, v9;
	v13 =	vshra.s32 v6, $0x1;
	v24 =	vsub.s32 $0x5F3759DF, v24;
	v31 =	vld.idx.msk [tilespmem:v5+s8+$0x0], $0xffff  }
0x130: {  	v10 =	vmul.f32 $1.442695020e+00, v10;
	v12 =	vmul.f32 v23, v12;
	v29 =	vld.idx.msk [tilespmem:v1+s8+$0x0], $0xffff;
	v8 =	vadd.f32 v11, v8  }
0x131: {  	v13 =	vsub.s32 $0x5F3759DF, v13;
	v30 =	vmul.f32 v24, v25;
	v11 =	vmul.f32 $5.000000000e-01, v6  }
0x132: {  	v23 =	vld.idx.msk [tilespmem:v5+s8+$0x0], $0xffff;
	v7 =	vsub.f32 v21, v7;
	v44 =	vshra.s32 v8, $0x1;
	v45 =	vmul.f32 $5.000000000e-01, v8  }
0x133: {  	v15 =	vsub.f32 v15, v28;
	v20 =	vsub.f32 v20, v26;
	v32 =	vsub.s32 $0x5F3759DF, v44  }
0x134: {  	v18 =	vsub.f32 v18, v31;
	v7 =	vmul.f32 v7, v7;
	v46 =	vmul.f32 v32, v45  }
0x135: {  	v21 =	vmul.f32 v13, v11;
	v19 =	vsub.f32 v19, v29;
	v20 =	vmul.f32 v20, v20  }
0x136: {  	v15 =	vmul.f32 v15, v15;
	v7 =	vadd.f32 $9.999999960e-13, v7;
	v26 =	vmul.f32 v32, v46  }
0x137: {  	v14 =	vsub.f32 v14, v23;
	v19 =	vmul.f32 v19, v19;
	v20 =	vadd.f32 $9.999999960e-13, v20  }
0x138: {  	v7 =	vadd.f32 v15, v7;
	v15 =	vmul.f32 v18, v18;
	v23 =	vsub.f32 $1.500000000e+00, v26  }
0x139: {  	v14 =	vmul.f32 v14, v14;
	v18 =	vmul.f32 v24, v30;
	v19 =	vadd.f32 v19, v20  }
0x13a: {  	v20 =	vmul.f32 v13, v21;
	v7 =	vadd.f32 v15, v7;
	v21 =	vmul.f32 v32, v23  }
0x13b: {  	(erf) = vpow2.f32 v10;
	v15 =	vsub.f32 $1.500000000e+00, v18;
	v14 =	vadd.f32 v14, v19  }
0x13c: {  	v19 =	vshra.s32 v7, $0x1;
	v23 =	vmul.f32 $5.000000000e-01, v7;
	v18 =	vmul.f32 v21, v45  }
0x13d: {  	v26 =	vshra.s32 v14, $0x1;
	v28 =	vmul.f32 $5.000000000e-01, v14;
	v19 =	vsub.s32 $0x5F3759DF, v19  }
0x13e: {  	v12 =	vmul.f32 $-1.000000000e+01, v12;
	v26 =	vsub.s32 $0x5F3759DF, v26;
	v29 =	vmul.f32 v19, v23  }
0x13f: {  	v20 =	vsub.f32 $1.500000000e+00, v20;
	v18 =	vmul.f32 v18, v21;
	v30 =	vmul.f32 v26, v28  }
0x140: {  	v15 =	vmul.f32 v24, v15;
	v24 =	vmul.f32 v19, v29  }
0x141: {  	v13 =	vmul.f32 v13, v20;
	v18 =	vsub.f32 $1.500000000e+00, v18;
	v20 =	vmul.f32 v26, v30  }
0x142: {  	v12 =	vmul.f32 $1.442695020e+00, v12;
	v25 =	vmul.f32 v15, v25;
	v24 =	vsub.f32 $1.500000000e+00, v24  }
0x143: {  	v11 =	vmul.f32 v13, v11;
	v18 =	vmul.f32 v18, v21;
	v20 =	vsub.f32 $1.500000000e+00, v20  }
0x144: {  	v21 =	vmul.f32 v25, v15;
	v19 =	vmul.f32 v19, v24  }
0x145: {  	v8 =	vmul.f32 v18, v8;
	v18 =	vmul.f32 v26, v20  }
0x146: {  	v11 =	vmul.f32 v11, v13;
	v10 =	vsub.f32 $1.500000000e+00, v21;
	v20 =	vmul.f32 v19, v23  }
0x147: {  	v8 =	vmul.f32 $-1.000000000e+01, v8;
	v23 =	vmul.f32 v18, v28  }
0x148: {  	v10 =	vmul.f32 v10, v15;
	v20 =	vmul.f32 v20, v19  }
0x149: {  	v11 =	vsub.f32 $1.500000000e+00, v11;
	v8 =	vmul.f32 $1.442695020e+00, v8;
	v21 =	vmul.f32 v23, v18  }
0x14a: {  	(erf) = vpow2.f32 v12;
	v9 =	vmul.f32 v10, v9;
	v12 =	vsub.f32 $1.500000000e+00, v20  }
0x14b: {  	(erf) = vpow2.f32 v8;
	v8 =	vmul.f32 v11, v13;
	v11 =	vsub.f32 $1.500000000e+00, v21  }
0x14c: {  	v9 =	vmul.f32 $-1.000000000e+01, v9;
	v10 =	vmul.f32 v12, v19  }
0x14d: {  	v6 =	vmul.f32 v8, v6;
	v8 =	vmul.f32 v11, v18  }
0x14e: {  	v9 =	vmul.f32 $1.442695020e+00, v9;
	v7 =	vmul.f32 v10, v7  }
0x14f: {  	v6 =	vmul.f32 $-1.000000000e+01, v6;
	v8 =	vmul.f32 v8, v14  }
0x150: {  	(erf) = vpow2.f32 v9;
	v7 =	vmul.f32 $-1.000000000e+01, v7  }
0x151: {  	v6 =	vmul.f32 $1.442695020e+00, v6;
	v8 =	vmul.f32 $-1.000000000e+01, v8  }
0x152: {  	v7 =	vmul.f32 $1.442695020e+00, v7  }
0x153: {  	(erf) = vpow2.f32 v6;
	v6 =	vmul.f32 $1.442695020e+00, v8  }
0x154: {  	(erf) = vpow2.f32 v7;
	v7 =	vadd.f32 $1.000000050e-03, v22  }
0x155: {  	(erf) = vpow2.f32 v6;
	v6 =	vadd.f32 $1.000000050e-03, v16  }
0x156: {  	[tilespmem:s22+$0x80] =	vst v7;
	v7 =	vadd.f32 $1.000000050e-03, v17  }
0x157: {  	v8 =	vpop (erf);
	[tilespmem:s21+$0x0] =	vst v6;
	v6 =	vadd.f32 $1.000000050e-03, v27  }
0x158: {  	v9 =	vpop (erf);
	[tilespmem:s21+$0xFFFFFF80] =	vst v7;
	v7 =	vadd.f32 $1.000000050e-03, v8  }
0x159: {  	v8 =	vpop (erf);
	[tilespmem:s0+$0x80] =	vst v6;
	v6 =	vadd.f32 $1.000000050e-03, v9  }
0x15a: {  	[tilespmem:s22+$0x0] =	vst v7;
	v7 =	vadd.f32 $1.000000050e-03, v8;
	v8 =	vpop (erf)  }
0x15b: {  	v8 =	vadd.f32 $1.000000050e-03, v8;
	_ =	sdelay $0x1  }
0x15c: {  	[tilespmem:s22+$0xFFFFFF80] =	vst v6;
	v6 =	vpop (erf)  }
0x15d: {  	[tilespmem:s1+$0x80] =	vst v7;
	v6 =	vadd.f32 $1.000000050e-03, v6;
	v7 =	vpop (erf)  }
0x15e: {  	[tilespmem:s0+$0x0] =	vst v8;
	v8 =	vpop (erf);
	v7 =	vadd.f32 $1.000000050e-03, v7  }
0x15f: {  	[tilespmem:s0+$0xFFFFFF80] =	vst v6;
	v6 =	vadd.f32 $1.000000050e-03, v8  }
0x160: {  	[tilespmem:s1+$0x0] =	vst v7  }
0x161: {  	s16 =	simm.s32 $0x2;
	[tilespmem:s1+$0xFFFFFF80] =	vst v6  }
0x162: {  	_ =	swait.ge [sflag:s16], $0x1000  }
0x163: {  	[sflag:s16] =	ssyncset.done $0x0  }
0x164: {  	s3 =	simm.s32 $0x3;
	s1 =	simm.s32 $0x0;
	[sflag:s16] =	ssyncadd.s32 $0xFFFFF000  }
0x165: {  	s30 =	sand.u32 $0x40, s1;
	_ =	swait.ge [sflag:s3], $0x400  }
0x166: {  	s2 =	sand.u32 $0x7FFFFC00, s1;
	s0 =	sor.u32 $0x30, s30;
	[sflag:s3] =	ssyncset.done $0x0  }
0x167: {  	s10 =	sor.u32 s2, s0;
	[sflag:s3] =	ssyncadd.s32 $0xFFFFFC00  }
0x168: {  	s17 =	sshrl.u32 s2, $0x2;
	v6 =	vld [tilespmem:s10+$0x200]  }
0x169: {  	s3 =	sadd.s32 $0x1200, s17;
	v7 =	vld [tilespmem:s10+$0x280]  }
0x16a: {  	v8 =	vld [tilespmem:s10+$0x300];
	s4 =	sor.u32 s0, s3  }
0x16b: {  	v9 =	vld [tilespmem:s4+$0x0]  }
0x16c: {  	v10 =	vld [tilespmem:s4+$0x80];
	_ =	sdelay $0x1  }
0x16d: {  	v12 =	vld [tilespmem:s10+$0x380];
	v11 =	vand.u32 $0x7F, v7  }
0x16e: {  	s26 =	sor.u32 $0x10, s30;
	v7 =	vand.u32 $0xFFFFFF80, v7;
	v6 =	vshll.u32 v6, $0x7;
	v13 =	vand.u32 $0xFFFFFF80, v8  }
0x16f: {  	s28 =	sor.u32 $0x20, s30;
	s31 =	sor.u32 s2, s26;
	v14 =	vld [tilespmem:s10+$0x400];
	v8 =	vand.u32 $0x7F, v8;
	v7 =	vadd.s32 v6, v7;
	v13 =	vadd.s32 v6, v13  }
0x170: {  	s29 =	sor.u32 s2, s28;
	v15 =	vld [tilespmem:s31+$0x200];
	v9 =	vshll.u32 v9, $0x7;
	v7 =	vor.u32 v11, v7;
	v11 =	vand.u32 $0xFFFFFF80, v10  }
0x171: {  	s9 =	sor.u32 s30, s2;
	v18 =	vld [tilespmem:s29+$0x200];
	v8 =	vor.u32 v8, v13;
	v10 =	vand.u32 $0x7F, v10;
	v9 =	vadd.s32 v9, v11  }
0x172: {  	v19 =	vld [tilespmem:s9+$0x200];
	v11 =	vand.u32 $0xFFFFFF80, v12;
	v17 =	vor.u32 v10, v9  }
0x173: {  	v24 =	vld [tilespmem:s9+$0x300];
	v9 =	vand.u32 $0x7F, v12;
	v10 =	vadd.s32 v6, v11  }
0x174: {  	v13 =	vld [tilespmem:s31+$0x300];
	v11 =	vor.u32 v9, v10;
	v9 =	vand.u32 $0xFFFFFF80, v14  }
0x175: {  	v6 =	vadd.s32 v6, v9;
	v10 =	vld.idx.msk [tilespmem:v7+s11+$0x0], $0xffff;
	v7 =	vand.u32 $0x7F, v14  }
0x176: {  	v9 =	vld.idx.msk [tilespmem:v8+s11+$0x0], $0xffff;
	v6 =	vor.u32 v7, v6  }
0x177: {  	v7 =	vld.idx.msk [tilespmem:v17+s11+$0x0], $0xffff  }
0x178: {  	v16 =	vld [tilespmem:s31+$0x280]  }
0x179: {  	v11 =	vld.idx.msk [tilespmem:v11+s11+$0x0], $0xffff  }
0x17a: {  	v18 =	vshll.u32 v18, $0x7;
	v8 =	vld [tilespmem:s29+$0x300];
	v14 =	vshll.u32 v15, $0x7;
	v17 =	vand.u32 $0xFFFFFF80, v13  }
0x17b: {  	v19 =	vshll.u32 v19, $0x7;
	v25 =	vand.u32 $0xFFFFFF80, v24;
	v20 =	vadd.s32 v14, v17;
	v17 =	vld.idx.msk [tilespmem:v6+s11+$0x0], $0xffff  }
0x17c: {  	v24 =	vand.u32 $0x7F, v24;
	v12 =	vld [tilespmem:s29+$0x280];
	v21 =	vadd.f32 v9, v10;
	v7 =	vsub.f32 $0.0e+00, v7  }
0x17d: {  	v25 =	vadd.s32 v19, v25;
	v15 =	vand.u32 $0xFFFFFF80, v16;
	v16 =	vand.u32 $0x7F, v16  }
0x17e: {  	v22 =	vld [tilespmem:s9+$0x280];
	v15 =	vadd.s32 v14, v15;
	v21 =	vadd.f32 v11, v21;
	v7 =	vmul.f32 $1.442695020e+00, v7  }
0x17f: {  	v13 =	vand.u32 $0x7F, v13;
	v15 =	vor.u32 v16, v15;
	v23 =	vand.u32 $0xFFFFFF80, v8  }
0x180: {  	s5 =	sor.u32 s26, s3;
	v55 =	vld [tilespmem:s29+$0x400];
	v8 =	vand.u32 $0x7F, v8;
	v21 =	vadd.f32 v17, v21;
	(erf) = vpow2.f32 v7  }
0x181: {  	s18 =	sor.u32 s30, s3;
	v26 =	vld [tilespmem:s5+$0x80];
	v6 =	vand.u32 $0xFFFFFF80, v12;
	v12 =	vand.u32 $0x7F, v12;
	v23 =	vadd.s32 v18, v23  }
0x182: {  	v16 =	vld [tilespmem:s18+$0x0];
	v6 =	vadd.s32 v18, v6;
	v8 =	vor.u32 v8, v23;
	v23 =	vsub.f32 v21, v10  }
0x183: {  	v12 =	vor.u32 v12, v6;
	v6 =	vld [tilespmem:s18+$0x80];
	v7 =	vor.u32 v13, v20;
	v13 =	vand.u32 $0xFFFFFF80, v22  }
0x184: {  	s19 =	sor.u32 s2, s1;
	s3 =	sor.u32 s28, s3;
	v20 =	vand.u32 $0x7F, v22;
	v22 =	vld [tilespmem:s5+$0x0];
	v28 =	vsub.f32 v21, v9;
	v29 =	vmul.f32 v23, v21  }
0x185: {  	s15 =	sor.u32 $0x180, s19;
	v27 =	vld [tilespmem:s3+$0x0];
	v43 =	vand.u32 $0xFFFFFF80, v55;
	v36 =	vand.u32 $0x7F, v55;
	v24 =	vor.u32 v24, v25  }
0x186: {  	v25 =	vld [tilespmem:s15+$0x200];
	v13 =	vadd.s32 v19, v13;
	v31 =	vsub.f32 v21, v11;
	v47 =	vmul.f32 v29, v28  }
0x187: {  	v51 =	vand.u32 $0xFFFFFF80, v26;
	v20 =	vor.u32 v20, v13;
	v13 =	vshll.u32 v16, $0x7  }
0x188: {  	v16 =	vld [tilespmem:s3+$0x80];
	v30 =	vand.u32 $0xFFFFFF80, v6;
	v49 =	vsub.f32 v21, v17;
	v50 =	vmul.f32 v47, v31  }
0x189: {  	v6 =	vand.u32 $0x7F, v6;
	v13 =	vadd.s32 v13, v30;
	v30 =	vld [tilespmem:s31+$0x380];
	v48 =	vshll.u32 v22, $0x7;
	v22 =	vpop (erf)  }
0x18a: {  	v6 =	vor.u32 v6, v13;
	v13 =	vld [tilespmem:s29+$0x380];
	v53 =	vadd.f32 $1.000000000e+00, v22;
	v22 =	vmul.f32 v50, v49  }
0x18b: {  	v26 =	vand.u32 $0x7F, v26;
	v27 =	vshll.u32 v27, $0x7;
	v56 =	vand.u32 $0xFFFFFF80, v25  }
0x18c: {  	v37 =	vadd.s32 v19, v56;
	v33 =	vadd.s32 v48, v51;
	v58 =	vmul.f32 v53, v22  }
0x18d: {  	v54 =	vld [tilespmem:s31+$0x400];
	v52 =	vand.u32 $0xFFFFFF80, v16;
	v16 =	vand.u32 $0x7F, v16;
	v26 =	vor.u32 v26, v33  }
0x18e: {  	v59 =	vld [tilespmem:s9+$0x400];
	v27 =	vadd.s32 v27, v52;
	v57 =	vand.u32 $0xFFFFFF80, v30;
	(erf) = vrcp.f32 v58  }
0x18f: {  	v63 =	vand.u32 $0xFFFFFF80, v13;
	v40 =	vadd.s32 v14, v57;
	v34 =	vmul.f32 v53, v49  }
0x190: {  	v27 =	vor.u32 v16, v27;
	v16 =	vld.idx.msk [tilespmem:v6+s11+$0x0], $0xffff;
	v6 =	vand.u32 $0x7F, v25;
	v25 =	vand.u32 $0x7F, v30  }
0x191: {  	v13 =	vand.u32 $0x7F, v13;
	v33 =	vadd.s32 v18, v63;
	v31 =	vmul.f32 v34, v31  }
0x192: {  	v30 =	vor.u32 v6, v37;
	v6 =	vld.idx.msk [tilespmem:v15+s11+$0x0], $0xffff;
	v15 =	vor.u32 v25, v40;
	v25 =	vand.u32 $0xFFFFFF80, v54  }
0x193: {  	v7 =	vld.idx.msk [tilespmem:v7+s11+$0x0], $0xffff;
	v33 =	vor.u32 v13, v33;
	v13 =	vand.u32 $0xFFFFFF80, v59;
	v28 =	vmul.f32 v31, v28  }
0x194: {  	v37 =	vadd.s32 v18, v43;
	v14 =	vadd.s32 v14, v25;
	v19 =	vadd.s32 v19, v13;
	v13 =	vld.idx.msk [tilespmem:v8+s11+$0x0], $0xffff  }
0x195: {  	v8 =	vand.u32 $0x7F, v54;
	v25 =	vsub.f32 $0.0e+00, v16;
	v16 =	vld.idx.msk [tilespmem:v20+s11+$0x0], $0xffff;
	v20 =	vand.u32 $0x7F, v59  }
0x196: {  	v18 =	vld.idx.msk [tilespmem:v24+s11+$0x0], $0xffff;
	v8 =	vor.u32 v8, v14;
	v19 =	vor.u32 v20, v19;
	v20 =	vmul.f32 v28, v23  }
0x197: {  	v24 =	vld.idx.msk [tilespmem:v26+s11+$0x0], $0xffff;
	v26 =	vmul.f32 v31, v29;
	v29 =	vor.u32 v36, v37;
	v14 =	vmul.f32 v28, v21;
	v28 =	vpop (erf)  }
0x198: {  	v63 =	vld.idx.msk [tilespmem:v12+s11+$0x0], $0xffff;
	v31 =	vmul.f32 v20, v28;
	v20 =	vmul.f32 v34, v47  }
0x199: {  	v27 =	vld.idx.msk [tilespmem:v27+s11+$0x0], $0xffff;
	v23 =	vmul.f32 v53, v50;
	v44 =	vmul.f32 v14, v28  }
0x19a: {  	v15 =	vld.idx.msk [tilespmem:v15+s11+$0x0], $0xffff;
	v46 =	vmul.f32 v28, v20;
	v48 =	vmul.f32 v31, v10  }
0x19b: {  	v49 =	vmul.f32 v31, v9;
	v20 =	vld.idx.msk [tilespmem:v8+s11+$0x0], $0xffff;
	v51 =	vmul.f32 v44, v9  }
0x19c: {  	v50 =	vmul.f32 v31, v11;
	v8 =	vld.idx.msk [tilespmem:v29+s11+$0x0], $0xffff;
	v29 =	vmul.f32 v31, v17  }
0x19d: {  	v21 =	vld.idx.msk [tilespmem:v30+s11+$0x0], $0xffff;
	v31 =	vmul.f32 v44, v11;
	v2 =	vmul.f32 v51, v48  }
0x19e: {  	v40 =	vld.idx.msk [tilespmem:v19+s11+$0x0], $0xffff;
	v26 =	vmul.f32 v26, v28  }
0x19f: {  	v14 =	vld.idx.msk [tilespmem:v33+s11+$0x0], $0xffff;
	v32 =	vmul.f32 v44, v17;
	[tilespmem:$0x1FC50] =	vst v2;
	v2 =	vmul.f32 v31, v48;
	_ =	sdelay $0x1  }
0x1a0: {  	v31 =	vmul.f32 v26, v10;
	[tilespmem:$0x1FC60] =	vst v2;
	v2 =	vmul.f32 v32, v48  }
0x1a1: {  	v25 =	vmul.f32 $1.442695020e+00, v25;
	v24 =	vsub.f32 $0.0e+00, v24  }
0x1a2: {  	v52 =	vmul.f32 v26, v11;
	[tilespmem:$0x1FC70] =	vst v2;
	v2 =	vmul.f32 v49, v31  }
0x1a3: {  	(erf) = vpow2.f32 v25;
	v27 =	vsub.f32 $0.0e+00, v27;
	v24 =	vmul.f32 $1.442695020e+00, v24  }
0x1a4: {  	v26 =	vmul.f32 v26, v17;
	[tilespmem:$0x1FC80] =	vst v2;
	v2 =	vmul.f32 v49, v52  }
0x1a5: {  	v27 =	vmul.f32 $1.442695020e+00, v27;
	(erf) = vpow2.f32 v24;
	v47 =	vadd.f32 v18, v16  }
0x1a6: {  	v30 =	vadd.f32 v7, v6;
	v53 =	vmul.f32 v46, v10;
	[tilespmem:$0x1FC90] =	vst v2;
	v2 =	vmul.f32 v49, v26  }
0x1a7: {  	v45 =	vadd.f32 v13, v63;
	(erf) = vpow2.f32 v27;
	v36 =	vadd.f32 v21, v47  }
0x1a8: {  	v30 =	vadd.f32 v15, v30;
	v26 =	vmul.f32 v46, v9;
	[tilespmem:$0x1FCB0] =	vst v2;
	v2 =	vmul.f32 v50, v53  }
0x1a9: {  	v23 =	vmul.f32 v28, v23;
	v33 =	vadd.f32 v40, v36;
	v34 =	vadd.f32 v14, v45  }
0x1aa: {  	v17 =	vmul.f32 v46, v17;
	v30 =	vadd.f32 v20, v30;
	[tilespmem:$0x1FCC0] =	vst v2;
	v2 =	vmul.f32 v50, v26  }
0x1ab: {  	v10 =	vmul.f32 v23, v10;
	v56 =	vsub.f32 v33, v21;
	v31 =	vadd.f32 v8, v34  }
0x1ac: {  	v25 =	vsub.f32 v30, v7;
	v34 =	vsub.f32 v30, v6;
	[tilespmem:$0x1FCE0] =	vst v2;
	v2 =	vmul.f32 v50, v17  }
0x1ad: {  	v11 =	vmul.f32 v23, v11;
	v32 =	vsub.f32 v31, v63;
	v26 =	vsub.f32 v33, v16  }
0x1ae: {  	v24 =	vsub.f32 v31, v13;
	v9 =	vmul.f32 v23, v9;
	[tilespmem:$0x1FCF0] =	vst v2;
	v2 =	vmul.f32 v29, v10  }
0x1af: {  	v55 =	vmul.f32 v32, v31;
	v17 =	vsub.f32 v33, v18;
	v23 =	vmul.f32 v26, v33  }
0x1b0: {  	v58 =	vsub.f32 v30, v20;
	v54 =	vmul.f32 v34, v30;
	[tilespmem:$0x1FD10] =	vst v2;
	v2 =	vmul.f32 v29, v9  }
0x1b1: {  	v27 =	vsub.f32 v31, v14;
	v60 =	vmul.f32 v55, v24;
	v57 =	vmul.f32 v23, v17  }
0x1b2: {  	v59 =	vmul.f32 v54, v25;
	v10 =	vsub.f32 v30, v15;
	[tilespmem:$0x1FD20] =	vst v2;
	v2 =	vmul.f32 v29, v11  }
0x1b3: {  	v47 =	vmul.f32 v60, v27;
	v61 =	vmul.f32 v57, v56;
	v29 =	vsub.f32 v33, v40  }
0x1b4: {  	v62 =	vsub.f32 v31, v8;
	v46 =	vmul.f32 v59, v10;
	v11 =	vpop (erf);
	[tilespmem:$0x1FD30] =	vst v2;
	v2 =	vmul.f32 v28, v22  }
0x1b5: {  	v3 =	vmul.f32 v61, v29;
	v22 =	vadd.f32 $1.000000000e+00, v11;
	v28 =	vpop (erf)  }
0x1b6: {  	v4 =	vmul.f32 v46, v58;
	v28 =	vadd.f32 $1.000000000e+00, v28;
	[tilespmem:$0x1FD40] =	vst v2;
	v2 =	vmul.f32 v47, v62  }
0x1b7: {  	v48 =	vpop (erf);
	v29 =	vmul.f32 v22, v29;
	v49 =	vmul.f32 v22, v3  }
0x1b8: {  	v48 =	vadd.f32 $1.000000000e+00, v48;
	v22 =	vmul.f32 v22, v61;
	v41 =	vmul.f32 v28, v58  }
0x1b9: {  	v50 =	vmul.f32 v28, v4;
	v28 =	vmul.f32 v28, v46  }
0x1ba: {  	v51 =	vmul.f32 v48, v2;
	(erf) = vrcp.f32 v49  }
0x1bb: {  	v45 =	vmul.f32 v48, v62;
	v37 =	vmul.f32 v29, v56  }
0x1bc: {  	(erf) = vrcp.f32 v50;
	v10 =	vmul.f32 v41, v10  }
0x1bd: {  	(erf) = vrcp.f32 v51;
	v27 =	vmul.f32 v45, v27  }
0x1be: {  	v17 =	vmul.f32 v37, v17;
	v37 =	vmul.f32 v37, v23  }
0x1bf: {  	v23 =	vmul.f32 v10, v25;
	v10 =	vmul.f32 v10, v54  }
0x1c0: {  	v24 =	vmul.f32 v27, v24;
	v25 =	vmul.f32 v17, v26  }
0x1c1: {  	v17 =	vmul.f32 v17, v33;
	v27 =	vmul.f32 v27, v55  }
0x1c2: {  	v33 =	vmul.f32 v45, v60;
	v26 =	vmul.f32 v23, v34  }
0x1c3: {  	v30 =	vmul.f32 v23, v30;
	v34 =	vmul.f32 v48, v47  }
0x1c4: {  	v32 =	vmul.f32 v24, v32;
	v31 =	vmul.f32 v24, v31  }
0x1c5: {  	v24 =	vmul.f32 v29, v57;
	v29 =	vmul.f32 v41, v59;
	v36 =	vpop (erf)  }
0x1c6: {  	v25 =	vmul.f32 v25, v36;
	v17 =	vmul.f32 v17, v36  }
0x1c7: {  	v42 =	vpop (erf);
	v50 =	vmul.f32 v37, v36;
	v24 =	vmul.f32 v36, v24  }
0x1c8: {  	v22 =	vmul.f32 v36, v22;
	v26 =	vmul.f32 v26, v42  }
0x1c9: {  	v30 =	vmul.f32 v30, v42;
	v10 =	vmul.f32 v10, v42  }
0x1ca: {  	v29 =	vmul.f32 v42, v29;
	v28 =	vmul.f32 v42, v28  }
0x1cb: {  	v37 =	vmul.f32 v25, v16;
	v38 =	vmul.f32 v25, v18  }
0x1cc: {  	v41 =	vmul.f32 v25, v21;
	v43 =	vmul.f32 v25, v40  }
0x1cd: {  	v23 =	vmul.f32 v17, v18;
	v44 =	vmul.f32 v17, v21  }
0x1ce: {  	v52 =	vmul.f32 v17, v40;
	v46 =	vmul.f32 v50, v16  }
0x1cf: {  	v47 =	vmul.f32 v50, v21;
	v35 =	vmul.f32 v50, v40  }
0x1d0: {  	v48 =	vmul.f32 v24, v16;
	v53 =	vmul.f32 v24, v18  }
0x1d1: {  	v40 =	vmul.f32 v24, v40;
	v55 =	vmul.f32 v22, v16  }
0x1d2: {  	s19 =	simm.s32 $0x40;
	v45 =	vpop (erf);
	v56 =	vmul.f32 v22, v18;
	v59 =	vmul.f32 v22, v21  }
0x1d3: {  	s21 =	simm.s32 $0x200;
	s16 =	sand.u32 $0x40, s19;
	v31 =	vmul.f32 v31, v45;
	v33 =	vmul.f32 v45, v33  }
0x1d4: {  	s17 =	sor.u32 $0x30, s16;
	s4 =	sand.u32 $0x7FFFFC00, s21;
	[tilespmem:$0x1FD00] =	vst v4;
	v51 =	vmul.f32 v45, v34;
	v60 =	vmul.f32 v26, v6  }
0x1d5: {  	s5 =	sor.u32 s4, s17;
	[tilespmem:$0x1FD80] =	vst v2;
	v62 =	vmul.f32 v26, v7;
	v61 =	vmul.f32 v26, v15  }
0x1d6: {  	v16 =	vld [tilespmem:s5+$0x200];
	v25 =	vmul.f32 v26, v20;
	v26 =	vmul.f32 v30, v7  }
0x1d7: {  	v17 =	vld [tilespmem:s5+$0x280];
	v9 =	vmul.f32 v30, v15;
	v30 =	vmul.f32 v30, v20  }
0x1d8: {  	s20 =	sshrl.u32 s4, $0x2;
	v11 =	vmul.f32 v10, v6;
	v19 =	vmul.f32 v10, v15  }
0x1d9: {  	s3 =	sadd.s32 $0x1200, s20;
	v12 =	vld [tilespmem:s5+$0x400];
	v10 =	vmul.f32 v10, v20;
	v21 =	vmul.f32 v29, v6  }
0x1da: {  	s6 =	sor.u32 s17, s3;
	v18 =	vld [tilespmem:s5+$0x300];
	v22 =	vmul.f32 v29, v7;
	v29 =	vmul.f32 v29, v20  }
0x1db: {  	v54 =	vld [tilespmem:s6+$0x80];
	v39 =	vmul.f32 v28, v6;
	v4 =	vmul.f32 v33, v8  }
0x1dc: {  	v34 =	vld [tilespmem:s5+$0x380];
	v24 =	vmul.f32 v28, v7;
	v50 =	vshll.u32 v16, $0x7;
	v16 =	vand.u32 $0xFFFFFF80, v17  }
0x1dd: {  	v20 =	vld [tilespmem:s6+$0x0];
	[tilespmem:$0x1FCA0] =	vst v4;
	v4 =	vmul.f32 v51, v63;
	v17 =	vand.u32 $0x7F, v17;
	v16 =	vadd.s32 v50, v16  }
0x1de: {  	v57 =	vmul.f32 v28, v15;
	v28 =	vmul.f32 v31, v8;
	v15 =	vor.u32 v17, v16  }
0x1df: {  	[tilespmem:$0x1FCD0] =	vst v4;
	v4 =	vmul.f32 v44, v37;
	v17 =	vmul.f32 v32, v45;
	v16 =	vand.u32 $0xFFFFFF80, v18  }
0x1e0: {  	v32 =	vmul.f32 v27, v45;
	v18 =	vand.u32 $0x7F, v18;
	v16 =	vadd.s32 v50, v16  }
0x1e1: {  	v27 =	vmul.f32 v31, v13;
	[tilespmem:$0x1FD50] =	vst v4;
	v4 =	vmul.f32 v52, v37;
	v18 =	vor.u32 v18, v16  }
0x1e2: {  	v16 =	vshll.u32 v20, $0x7;
	v7 =	vmul.f32 v17, v63;
	v58 =	vmul.f32 v17, v14  }
0x1e3: {  	v20 =	vand.u32 $0xFFFFFF80, v54;
	v2 =	vmul.f32 v17, v8;
	v15 =	vld.idx.msk [tilespmem:v15+s11+$0x0], $0xffff;
	[tilespmem:$0x1FD60] =	vst v4;
	v4 =	vmul.f32 v38, v46  }
0x1e4: {  	v49 =	vmul.f32 v32, v14;
	v20 =	vadd.s32 v16, v20;
	v16 =	vmul.f32 v17, v13  }
0x1e5: {  	v17 =	vand.u32 $0x7F, v54;
	v54 =	vand.u32 $0xFFFFFF80, v34;
	[tilespmem:$0x1FD70] =	vst v4;
	v4 =	vmul.f32 v38, v47  }
0x1e6: {  	v20 =	vor.u32 v17, v20;
	v17 =	vmul.f32 v31, v14;
	v31 =	vmul.f32 v32, v63  }
0x1e7: {  	v34 =	vand.u32 $0x7F, v34;
	v54 =	vadd.s32 v50, v54;
	v18 =	vld.idx.msk [tilespmem:v18+s11+$0x0], $0xffff;
	[tilespmem:$0x1FD90] =	vst v4;
	v4 =	vmul.f32 v38, v35  }
0x1e8: {  	v32 =	vmul.f32 v32, v8;
	v8 =	vmul.f32 v33, v63;
	v6 =	vor.u32 v34, v54  }
0x1e9: {  	v54 =	vmul.f32 v33, v13;
	v33 =	vand.u32 $0xFFFFFF80, v12;
	[tilespmem:$0x1FDA0] =	vst v4;
	v4 =	vmul.f32 v41, v48  }
0x1ea: {  	v63 =	vmul.f32 v51, v13;
	v12 =	vand.u32 $0x7F, v12;
	v13 =	vadd.s32 v50, v33  }
0x1eb: {  	v12 =	vor.u32 v12, v13;
	v13 =	vld.idx.msk [tilespmem:v20+s11+$0x0], $0xffff;
	[tilespmem:$0x1FDB0] =	vst v4;
	v4 =	vmul.f32 v41, v53;
	_ =	sdelay $0x1  }
0x1ec: {  	[tilespmem:$0x1FDC0] =	vst v4;
	v4 =	vmul.f32 v41, v40;
	_ =	sdelay $0x1  }
0x1ed: {  	v20 =	vld.idx.msk [tilespmem:v6+s11+$0x0], $0xffff;
	[tilespmem:$0x1FDD0] =	vst v4;
	v4 =	vmul.f32 v43, v55;
	_ =	sdelay $0x1  }
0x1ee: {  	s6 =	sor.u32 $0x10, s16;
	[tilespmem:$0x1FDE0] =	vst v4;
	v4 =	vmul.f32 v43, v56  }
0x1ef: {  	s23 =	sor.u32 s4, s6  }
0x1f0: {  	v6 =	vld [tilespmem:s23+$0x200];
	[tilespmem:$0x1FDF0] =	vst v4;
	v4 =	vmul.f32 v43, v59;
	_ =	sdelay $0x1  }
0x1f1: {  	[tilespmem:$0x1FE00] =	vst v4;
	v4 =	vmul.f32 v26, v60;
	_ =	sdelay $0x1  }
0x1f2: {  	v51 =	vmul.f32 v51, v14;
	v14 =	vld [tilespmem:s23+$0x280];
	[tilespmem:$0x1FE10] =	vst v4;
	v4 =	vmul.f32 v9, v60;
	_ =	sdelay $0x1  }
0x1f3: {  	[tilespmem:$0x1FE20] =	vst v4;
	v4 =	vmul.f32 v30, v60;
	_ =	sdelay $0x1  }
0x1f4: {  	v12 =	vld.idx.msk [tilespmem:v12+s11+$0x0], $0xffff;
	[tilespmem:$0x1FE30] =	vst v4;
	v4 =	vmul.f32 v62, v11  }
0x1f5: {  	v11 =	vmul.f32 v62, v19  }
0x1f6: {  	v10 =	vmul.f32 v62, v10;
	[tilespmem:$0x1FE40] =	vst v4  }
0x1f7: {  	s7 =	sor.u32 $0x20, s16;
	v9 =	vld [tilespmem:s23+$0x300];
	[tilespmem:$0x1FE50] =	vst v11;
	v11 =	vmul.f32 v61, v21  }
0x1f8: {  	s12 =	sor.u32 s4, s7;
	[tilespmem:$0x1FE60] =	vst v10  }
0x1f9: {  	v10 =	vld [tilespmem:s12+$0x200];
	[tilespmem:$0x1FE70] =	vst v11;
	v11 =	vmul.f32 v61, v22;
	_ =	sdelay $0x1  }
0x1fa: {  	v21 =	vadd.f32 v18, v15;
	[tilespmem:$0x1FE80] =	vst v11  }
0x1fb: {  	v11 =	vsub.f32 $0.0e+00, v13;
	v13 =	vld [tilespmem:s12+$0x280]  }
0x1fc: {  	v6 =	vshll.u32 v6, $0x7;
	v19 =	vand.u32 $0xFFFFFF80, v14;
	v21 =	vadd.f32 v20, v21  }
0x1fd: {  	v14 =	vand.u32 $0x7F, v14;
	v19 =	vadd.s32 v6, v19;
	v22 =	vmul.f32 v61, v29  }
0x1fe: {  	v14 =	vor.u32 v14, v19;
	v19 =	vadd.f32 v12, v21;
	v11 =	vmul.f32 $1.442695020e+00, v11  }
0x1ff: {  	v4 =	vmul.f32 v25, v39;
	[tilespmem:$0x1FE90] =	vst v22;
	v26 =	vand.u32 $0xFFFFFF80, v9;
	v10 =	vshll.u32 v10, $0x7  }
0x200: {  	s24 =	sor.u32 s16, s4;
	v22 =	vld [tilespmem:s12+$0x300];
	v29 =	vsub.f32 v19, v15;
	(erf) = vpow2.f32 v11;
	v21 =	vand.u32 $0xFFFFFF80, v13  }
0x201: {  	s22 =	sor.u32 s16, s3;
	v11 =	vadd.s32 v6, v26;
	v26 =	vld [tilespmem:s24+$0x200];
	v13 =	vand.u32 $0x7F, v13;
	v21 =	vadd.s32 v10, v21  }
0x202: {  	v13 =	vor.u32 v13, v21;
	v21 =	vld [tilespmem:s22+$0x0];
	[tilespmem:$0x1FEA0] =	vst v4;
	v4 =	vmul.f32 v25, v57  }
0x203: {  	v50 =	vmul.f32 v23, v37;
	v35 =	vsub.f32 v19, v18;
	v37 =	vmul.f32 v29, v19;
	v30 =	vld [tilespmem:s22+$0x80]  }
0x204: {  	v41 =	vmul.f32 v25, v24;
	v62 =	vld [tilespmem:s24+$0x280];
	[tilespmem:$0x1FEB0] =	vst v4;
	v4 =	vmul.f32 v17, v7  }
0x205: {  	v24 =	vmul.f32 v27, v7;
	v27 =	vsub.f32 v19, v20;
	v38 =	vmul.f32 v37, v35  }
0x206: {  	v9 =	vand.u32 $0x7F, v9;
	v39 =	vsub.f32 v19, v12;
	v25 =	vld [tilespmem:s24+$0x300];
	[tilespmem:$0x1FEC0] =	vst v4;
	v4 =	vmul.f32 v28, v7  }
0x207: {  	v9 =	vor.u32 v9, v11;
	v11 =	vand.u32 $0xFFFFFF80, v22;
	v40 =	vmul.f32 v38, v27  }
0x208: {  	s25 =	sor.u32 s6, s3;
	v22 =	vand.u32 $0x7F, v22;
	v11 =	vadd.s32 v10, v11;
	[tilespmem:$0x1FED0] =	vst v4  }
0x209: {  	v22 =	vor.u32 v22, v11;
	v26 =	vshll.u32 v26, $0x7;
	v57 =	vmul.f32 v40, v39;
	v17 =	vld [tilespmem:s25+$0x0]  }
0x20a: {  	s3 =	sor.u32 s7, s3;
	v7 =	vshll.u32 v21, $0x7;
	v59 =	vpop (erf);
	v28 =	vand.u32 $0xFFFFFF80, v30;
	v33 =	vand.u32 $0x7F, v62;
	v21 =	vld [tilespmem:s25+$0x80]  }
0x20b: {  	s13 =	sor.u32 s4, s19;
	v44 =	vadd.f32 $1.000000000e+00, v59;
	v7 =	vadd.s32 v7, v28;
	v28 =	vand.u32 $0xFFFFFF80, v62;
	v48 =	vld [tilespmem:s3+$0x0]  }
0x20c: {  	s13 =	sor.u32 $0x180, s13;
	v30 =	vand.u32 $0x7F, v30;
	v60 =	vld [tilespmem:s3+$0x80];
	v28 =	vadd.s32 v26, v28;
	v61 =	vand.u32 $0xFFFFFF80, v25  }
0x20d: {  	v62 =	vld [tilespmem:s13+$0x200];
	v25 =	vand.u32 $0x7F, v25;
	v46 =	vmul.f32 v44, v57;
	v39 =	vmul.f32 v44, v39  }
0x20e: {  	v7 =	vor.u32 v30, v7;
	v30 =	vld [tilespmem:s23+$0x380];
	v53 =	vadd.s32 v26, v61;
	v33 =	vor.u32 v33, v28  }
0x20f: {  	v11 =	vor.u32 v25, v53;
	(erf) = vrcp.f32 v46;
	v27 =	vmul.f32 v39, v27  }
0x210: {  	v17 =	vshll.u32 v17, $0x7;
	v28 =	vshll.u32 v48, $0x7;
	v47 =	vand.u32 $0xFFFFFF80, v21  }
0x211: {  	v48 =	vand.u32 $0xFFFFFF80, v60;
	v21 =	vand.u32 $0x7F, v21;
	v56 =	vand.u32 $0x7F, v60  }
0x212: {  	v59 =	vld [tilespmem:s12+$0x380];
	v46 =	vand.u32 $0xFFFFFF80, v62;
	v35 =	vmul.f32 v27, v35;
	v17 =	vadd.s32 v17, v47  }
0x213: {  	v28 =	vadd.s32 v28, v48;
	v47 =	vand.u32 $0x7F, v62;
	v48 =	vand.u32 $0xFFFFFF80, v30  }
0x214: {  	v30 =	vand.u32 $0x7F, v30;
	v62 =	vmul.f32 v16, v49;
	v17 =	vor.u32 v21, v17  }
0x215: {  	v21 =	vor.u32 v56, v28;
	v28 =	vadd.s32 v26, v46;
	v19 =	vmul.f32 v35, v19  }
0x216: {  	v61 =	vor.u32 v47, v28;
	v28 =	vadd.s32 v6, v48;
	v48 =	vmul.f32 v16, v32  }
0x217: {  	v32 =	vld [tilespmem:s24+$0x400];
	v53 =	vor.u32 v30, v28;
	v28 =	vmul.f32 v35, v29;
	v30 =	vand.u32 $0xFFFFFF80, v59  }
0x218: {  	v29 =	vld [tilespmem:s23+$0x400];
	v35 =	vmul.f32 v16, v31;
	[dreg:$0x7] =	wrdreg s12;
	v16 =	vadd.s32 v10, v30;
	v30 =	vand.u32 $0x7F, v59  }
0x219: {  	v52 =	vor.u32 v30, v16;
	v16 =	vmul.f32 v27, v37;
	v27 =	vmul.f32 v39, v38;
	v39 =	vld [tilespmem:s12+$0x400];
	v49 =	vpop (erf)  }
0x21a: {  	v43 =	vmul.f32 v28, v49;
	v19 =	vmul.f32 v19, v49;
	_ =	sdelay $0x1  }
0x21b: {  	v30 =	vmul.f32 v43, v15;
	v56 =	vmul.f32 v19, v18  }
0x21c: {  	v16 =	vmul.f32 v16, v49  }
0x21d: {  	v47 =	vmul.f32 v56, v30;
	v56 =	vld.idx.msk [tilespmem:v9+s11+$0x0], $0xffff;
	v9 =	vand.u32 $0xFFFFFF80, v39  }
0x21e: {  	v55 =	vld.idx.msk [tilespmem:v14+s11+$0x0], $0xffff;
	v14 =	vmul.f32 v43, v18;
	v9 =	vadd.s32 v10, v9;
	v10 =	vmul.f32 v16, v12  }
0x21f: {  	v31 =	vmul.f32 v44, v40;
	v28 =	vand.u32 $0xFFFFFF80, v29  }
0x220: {  	v7 =	vld.idx.msk [tilespmem:v7+s11+$0x0], $0xffff;
	v6 =	vadd.s32 v6, v28;
	v28 =	vmul.f32 v19, v20;
	v10 =	vmul.f32 v14, v10  }
0x221: {  	v4 =	vld.idx.msk [tilespmem:v13+s11+$0x0], $0xffff;
	v59 =	vand.u32 $0xFFFFFF80, v32;
	v13 =	vand.u32 $0x7F, v32;
	v19 =	vmul.f32 v19, v12  }
0x222: {  	v26 =	vadd.s32 v26, v59;
	v40 =	vmul.f32 v28, v30;
	[tilespmem:$0x1FEE0] =	vst v10;
	v10 =	vmul.f32 v49, v27  }
0x223: {  	v59 =	vmul.f32 v19, v30;
	v19 =	vor.u32 v13, v26;
	v13 =	vand.u32 $0x7F, v29;
	v26 =	vld.idx.msk [tilespmem:v17+s11+$0x0], $0xffff  }
0x224: {  	v6 =	vor.u32 v13, v6;
	v17 =	vmul.f32 v43, v20;
	v30 =	vld.idx.msk [tilespmem:v11+s11+$0x0], $0xffff;
	v13 =	vmul.f32 v10, v15  }
0x225: {  	v11 =	vld [tilespmem:$0x1FC50];
	v29 =	vmul.f32 v10, v18;
	v10 =	vmul.f32 v10, v12;
	_ =	sdelay $0x1  }
0x226: {  	v34 =	vld.idx.msk [tilespmem:v22+s11+$0x0], $0xffff;
	v10 =	vmul.f32 v17, v10  }
0x227: {  	v28 =	vmul.f32 v16, v15;
	v21 =	vld.idx.msk [tilespmem:v21+s11+$0x0], $0xffff  }
0x228: {  	v27 =	vmul.f32 v43, v12;
	v32 =	vld.idx.msk [tilespmem:v33+s11+$0x0], $0xffff;
	v12 =	vmul.f32 v49, v31;
	[tilespmem:$0x1FEF0] =	vst v10  }
0x229: {  	v38 =	vmul.f32 v14, v28;
	v28 =	vld.idx.msk [tilespmem:v61+s11+$0x0], $0xffff;
	[tilespmem:s10+$0x2200] =	vst v11  }
0x22a: {  	v31 =	vand.u32 $0x7F, v39;
	v18 =	vmul.f32 v12, v18;
	v11 =	vld [tilespmem:$0x1FC60]  }
0x22b: {  	v9 =	vor.u32 v31, v9;
	v31 =	vld.idx.msk [tilespmem:v53+s11+$0x0], $0xffff  }
0x22c: {  	v46 =	vmul.f32 v17, v29;
	v29 =	vld.idx.msk [tilespmem:v6+s11+$0x0], $0xffff;
	v6 =	vmul.f32 v27, v18  }
0x22d: {  	v60 =	vmul.f32 v16, v20;
	v20 =	vmul.f32 v12, v20;
	v33 =	vld.idx.msk [tilespmem:v52+s11+$0x0], $0xffff  }
0x22e: {  	v10 =	vsub.f32 $0.0e+00, v26;
	v26 =	vld.idx.msk [tilespmem:v19+s11+$0x0], $0xffff;
	[tilespmem:$0x1FF00] =	vst v6  }
0x22f: {  	v7 =	vsub.f32 $0.0e+00, v7;
	[tilespmem:s10+$0x2280] =	vst v11;
	v11 =	vmul.f32 v27, v20;
	_ =	sdelay $0x1  }
0x230: {  	v7 =	vmul.f32 $1.442695020e+00, v7;
	[tilespmem:$0x1FF10] =	vst v11;
	v11 =	vld [tilespmem:$0x1FC70];
	_ =	sdelay $0x1  }
0x231: {  	(erf) = vpow2.f32 v7;
	v7 =	vsub.f32 $0.0e+00, v21  }
0x232: {  	v10 =	vmul.f32 $1.442695020e+00, v10  }
0x233: {  	v6 =	vmul.f32 $1.442695020e+00, v7;
	v7 =	vadd.f32 v30, v32  }
0x234: {  	(erf) = vpow2.f32 v10;
	[tilespmem:s10+$0x2300] =	vst v11  }
0x235: {  	(erf) = vpow2.f32 v6;
	v6 =	vadd.f32 v28, v7;
	v7 =	vld [tilespmem:$0x1FC80];
	_ =	sdelay $0x1  }
0x236: {  	v11 =	vmul.f32 v49, v57;
	_ =	sdelay $0x1  }
0x237: {  	[tilespmem:$0x1FF20] =	vst v11  }
0x238: {  	[tilespmem:s10+$0x2380] =	vst v7  }
0x239: {  	v37 =	vmul.f32 v58, v8;
	v8 =	vld [tilespmem:$0x1FC90];
	_ =	sdelay $0x4  }
0x23a: {  	[tilespmem:s10+$0x2400] =	vst v8;
	v8 =	vmul.f32 v58, v54  }
0x23b: {  	v53 =	vld.idx.msk [tilespmem:v9+s11+$0x0], $0xffff  }
0x23c: {  	[tilespmem:$0x1FF30] =	vst v8;
	v8 =	vld [tilespmem:$0x1FCA0];
	_ =	sdelay $0x2  }
0x23d: {  	v15 =	vmul.f32 v12, v15;
	v12 =	vadd.f32 v26, v6;
	v6 =	vld [tilespmem:$0x1FCB0];
	_ =	sdelay $0x1  }
0x23e: {  	v10 =	vadd.f32 v56, v55;
	v8 =	vmul.f32 v58, v8  }
0x23f: {  	s11 =	sadd.s32 $0x2200, s2  }
0x240: {  	s14 =	sor.u32 s0, s11;
	v7 =	vadd.f32 v31, v10;
	[tilespmem:$0x1FF40] =	vst v8  }
0x241: {  	[tilespmem:s14+$0x280] =	vst v6  }
0x242: {  	v11 =	vadd.f32 v29, v7;
	v7 =	vld [tilespmem:$0x1FCC0];
	_ =	sdelay $0x1  }
0x243: {  	v3 =	vmul.f32 v36, v3;
	_ =	sdelay $0x1  }
0x244: {  	[tilespmem:$0x1FF90] =	vst v3  }
0x245: {  	[tilespmem:s14+$0x300] =	vst v7  }
0x246: {  	v3 =	vld [tilespmem:$0x1FCD0];
	_ =	sdelay $0x4  }
0x247: {  	v3 =	vmul.f32 v2, v3;
	_ =	sdelay $0x1  }
0x248: {  	[tilespmem:$0x1FF50] =	vst v3;
	v3 =	vmul.f32 v2, v63;
	_ =	sdelay $0x1  }
0x249: {  	[tilespmem:$0x1FF60] =	vst v3;
	v3 =	vld [tilespmem:$0x1FCE0];
	_ =	sdelay $0x4  }
0x24a: {  	[tilespmem:s14+$0x380] =	vst v3  }
0x24b: {  	v3 =	vld [tilespmem:$0x1FCF0];
	_ =	sdelay $0x1  }
0x24c: {  	v2 =	vmul.f32 v2, v51  }
0x24d: {  	s3 =	sadd.s32 $0x3200, s2  }
0x24e: {  	s18 =	sor.u32 s0, s3;
	[tilespmem:$0x1FF80] =	vst v2  }
0x24f: {  	[tilespmem:s18+$0x0] =	vst v3  }
0x250: {  	v3 =	vld [tilespmem:$0x1FD00];
	_ =	sdelay $0x4  }
0x251: {  	v2 =	vmul.f32 v42, v3;
	v3 =	vld [tilespmem:$0x1FD10];
	_ =	sdelay $0x2  }
0x252: {  	s8 =	sadd.s32 $0x3280, s2  }
0x253: {  	s20 =	sor.u32 s0, s8;
	[tilespmem:$0x1FF70] =	vst v2  }
0x254: {  	[tilespmem:s20+$0x0] =	vst v3  }
0x255: {  	v3 =	vld [tilespmem:$0x1FD20];
	_ =	sdelay $0x2  }
0x256: {  	s10 =	sadd.s32 $0x3300, s2  }
0x257: {  	s25 =	sor.u32 s0, s10  }
0x258: {  	[tilespmem:s25+$0x0] =	vst v3  }
0x259: {  	v3 =	vld [tilespmem:$0x1FD30];
	_ =	sdelay $0x2  }
0x25a: {  	s2 =	sadd.s32 $0x3380, s2  }
0x25b: {  	s14 =	sor.u32 s0, s2  }
0x25c: {  	[tilespmem:s14+$0x0] =	vst v3  }
0x25d: {  	v3 =	vld [tilespmem:$0x1FD40];
	_ =	sdelay $0x1  }
0x25e: {  	s1 =	sand.u32 $0x180, s1  }
0x25f: {  	s1 =	sor.u32 $0x4200, s1  }
0x260: {  	s0 =	sor.u32 s0, s1;
	[tilespmem:s9+$0x2200] =	vst v50  }
0x261: {  	[tilespmem:s0+$0x0] =	vst v3  }
0x262: {  	v3 =	vld [tilespmem:$0x1FD50];
	_ =	sdelay $0x4  }
0x263: {  	[tilespmem:s9+$0x2280] =	vst v3  }
0x264: {  	v3 =	vld [tilespmem:$0x1FD60];
	_ =	sdelay $0x4  }
0x265: {  	[tilespmem:s9+$0x2300] =	vst v3  }
0x266: {  	v3 =	vld [tilespmem:$0x1FD70];
	_ =	sdelay $0x4  }
0x267: {  	[tilespmem:s15+$0x2200] =	vst v3  }
0x268: {  	v2 =	vld [tilespmem:$0x1FD80];
	_ =	sdelay $0x4  }
0x269: {  	v2 =	vmul.f32 v45, v2;
	_ =	sdelay $0x1  }
0x26a: {  	[tilespmem:$0x1FFB0] =	vst v2;
	v2 =	vld [tilespmem:$0x1FD90];
	_ =	sdelay $0x4  }
0x26b: {  	[tilespmem:s9+$0x2400] =	vst v2  }
0x26c: {  	v2 =	vld [tilespmem:$0x1FDA0];
	_ =	sdelay $0x3  }
0x26d: {  	s15 =	sor.u32 s30, s11  }
0x26e: {  	[tilespmem:s15+$0x280] =	vst v2  }
0x26f: {  	v2 =	vld [tilespmem:$0x1FDB0];
	_ =	sdelay $0x4  }
0x270: {  	[tilespmem:s15+$0x300] =	vst v2  }
0x271: {  	v2 =	vld [tilespmem:$0x1FDC0];
	_ =	sdelay $0x4  }
0x272: {  	[tilespmem:s15+$0x380] =	vst v2  }
0x273: {  	v2 =	vld [tilespmem:$0x1FDD0];
	_ =	sdelay $0x3  }
0x274: {  	s18 =	sor.u32 s30, s3  }
0x275: {  	[tilespmem:s18+$0x0] =	vst v2  }
0x276: {  	v2 =	vld [tilespmem:$0x1FDE0];
	_ =	sdelay $0x3  }
0x277: {  	s20 =	sor.u32 s30, s8  }
0x278: {  	[tilespmem:s20+$0x0] =	vst v2  }
0x279: {  	v2 =	vld [tilespmem:$0x1FDF0];
	_ =	sdelay $0x3  }
0x27a: {  	s25 =	sor.u32 s30, s10  }
0x27b: {  	[tilespmem:s25+$0x0] =	vst v2  }
0x27c: {  	v2 =	vld [tilespmem:$0x1FE00];
	_ =	sdelay $0x3  }
0x27d: {  	s30 =	sor.u32 s30, s2  }
0x27e: {  	[tilespmem:s30+$0x0] =	vst v2  }
0x27f: {  	v2 =	vld [tilespmem:$0x1FE10];
	_ =	sdelay $0x4  }
0x280: {  	[tilespmem:s31+$0x2200] =	vst v2  }
0x281: {  	v2 =	vld [tilespmem:$0x1FE20];
	_ =	sdelay $0x4  }
0x282: {  	[tilespmem:s31+$0x2280] =	vst v2  }
0x283: {  	v2 =	vld [tilespmem:$0x1FE30];
	_ =	sdelay $0x4  }
0x284: {  	[tilespmem:s31+$0x2300] =	vst v2  }
0x285: {  	v2 =	vld [tilespmem:$0x1FE40];
	_ =	sdelay $0x4  }
0x286: {  	[tilespmem:s31+$0x2380] =	vst v2  }
0x287: {  	v2 =	vld [tilespmem:$0x1FE50];
	_ =	sdelay $0x4  }
0x288: {  	[tilespmem:s31+$0x2400] =	vst v2  }
0x289: {  	v2 =	vld [tilespmem:$0x1FE60];
	_ =	sdelay $0x3  }
0x28a: {  	s9 =	sor.u32 s26, s11  }
0x28b: {  	[tilespmem:s9+$0x280] =	vst v2  }
0x28c: {  	v2 =	vld [tilespmem:$0x1FE70];
	_ =	sdelay $0x4  }
0x28d: {  	[tilespmem:s9+$0x300] =	vst v2  }
0x28e: {  	v2 =	vld [tilespmem:$0x1FE80];
	_ =	sdelay $0x4  }
0x28f: {  	[tilespmem:s9+$0x380] =	vst v2  }
0x290: {  	v2 =	vld [tilespmem:$0x1FE90];
	_ =	sdelay $0x3  }
0x291: {  	s12 =	sor.u32 s26, s3  }
0x292: {  	v9 =	vadd.f32 v34, v4;
	[tilespmem:s12+$0x0] =	vst v2  }
0x293: {  	v39 =	vsub.f32 v12, v32;
	v2 =	vld [tilespmem:$0x1FEA0]  }
0x294: {  	v6 =	vadd.f32 v33, v9  }
0x295: {  	v36 =	vsub.f32 v12, v30;
	v52 =	vmul.f32 v39, v12  }
0x296: {  	v44 =	vmul.f32 v17, v13;
	v49 =	vadd.f32 v53, v6;
	v51 =	vsub.f32 v11, v55  }
0x297: {  	v43 =	vmul.f32 v27, v15;
	v25 =	vmul.f32 v52, v36;
	v63 =	vsub.f32 v12, v28;
	s31 =	smov.u32 s13;
	s13 =	sor.u32 s26, s8  }
0x298: {  	v57 =	vsub.f32 v11, v56;
	v54 =	vsub.f32 v49, v4;
	v58 =	vmul.f32 v51, v11;
	s14 =	sor.u32 s26, s10;
	[tilespmem:s13+$0x0] =	vst v2  }
0x299: {  	v13 =	vsub.f32 v12, v26;
	v17 =	vsub.f32 v11, v31;
	v23 =	vmul.f32 v25, v63;
	[tilespmem:s14+$0x0] =	vst v41  }
0x29a: {  	v61 =	vsub.f32 v49, v34;
	v6 =	vpop (erf);
	v22 =	vmul.f32 v54, v49;
	v42 =	vmul.f32 v58, v57;
	v2 =	vld [tilespmem:$0x1FEB0]  }
0x29b: {  	v18 =	vsub.f32 v49, v33;
	v15 =	vadd.f32 $1.000000000e+00, v6;
	v8 =	vmul.f32 v23, v13  }
0x29c: {  	v20 =	vmul.f32 v22, v61;
	v21 =	vmul.f32 v42, v17;
	v50 =	vsub.f32 v11, v29  }
0x29d: {  	v10 =	vsub.f32 v49, v53;
	v7 =	vpop (erf);
	v45 =	vmul.f32 v15, v8  }
0x29e: {  	v16 =	vadd.f32 $1.000000000e+00, v7;
	v19 =	vmul.f32 v20, v18;
	v6 =	vmul.f32 v21, v50;
	s15 =	sor.u32 s26, s2;
	[tilespmem:s29+$0x2200] =	vst v24  }
0x29f: {  	v60 =	vmul.f32 v14, v60;
	v7 =	vpop (erf);
	(erf) = vrcp.f32 v45;
	[tilespmem:s15+$0x0] =	vst v2  }
0x2a0: {  	v14 =	vadd.f32 $1.000000000e+00, v7;
	v7 =	vmul.f32 v19, v10;
	v9 =	vmul.f32 v16, v6;
	v2 =	vld [tilespmem:$0x1FEC0]  }
0x2a1: {  	v13 =	vmul.f32 v15, v13  }
0x2a2: {  	(erf) = vrcp.f32 v9;
	v9 =	vmul.f32 v14, v7  }
0x2a3: {  	v63 =	vmul.f32 v13, v63;
	v45 =	vmul.f32 v16, v50  }
0x2a4: {  	(erf) = vrcp.f32 v9;
	v9 =	vmul.f32 v14, v10  }
0x2a5: {  	v10 =	vmul.f32 v45, v17;
	v17 =	vmul.f32 v63, v36;
	[tilespmem:s29+$0x2280] =	vst v2  }
0x2a6: {  	v2 =	vld [tilespmem:$0x1FED0]  }
0x2a7: {  	v12 =	vmul.f32 v17, v12  }
0x2a8: {  	v18 =	vmul.f32 v9, v18;
	v20 =	vmul.f32 v9, v20;
	v9 =	vpop (erf)  }
0x2a9: {  	v12 =	vmul.f32 v12, v9  }
0x2aa: {  	[tilespmem:s29+$0x2380] =	vst v35  }
0x2ab: {  	[tilespmem:s29+$0x2300] =	vst v2;
	v2 =	vmul.f32 v12, v30  }
0x2ac: {  	[tilespmem:s29+$0x2400] =	vst v62  }
0x2ad: {  	s0 =	sor.u32 s28, s11;
	[tilespmem:$0x1FFA0] =	vst v2;
	v2 =	vmul.f32 v12, v28  }
0x2ae: {  	[tilespmem:s0+$0x280] =	vst v48  }
0x2af: {  	[tilespmem:$0x1FFC0] =	vst v2;
	v2 =	vmul.f32 v12, v26;
	_ =	sdelay $0x1  }
0x2b0: {  	[tilespmem:$0x1FFD0] =	vst v2  }
0x2b1: {  	[tilespmem:s0+$0x300] =	vst v37  }
0x2b2: {  	[tilespmem:s5+$0x2200] =	vst v47  }
0x2b3: {  	[tilespmem:s5+$0x2280] =	vst v40  }
0x2b4: {  	[tilespmem:s5+$0x2300] =	vst v59  }
0x2b5: {  	[tilespmem:s5+$0x2380] =	vst v38  }
0x2b6: {  	[tilespmem:s5+$0x2400] =	vst v60  }
0x2b7: {  	v2 =	vld [tilespmem:$0x1FEE0]  }
0x2b8: {  	s13 =	sadd.s32 $0x2200, s4  }
0x2b9: {  	s18 =	sor.u32 s17, s13  }
0x2ba: {  	[tilespmem:s18+$0x300] =	vst v44  }
0x2bb: {  	[tilespmem:s18+$0x380] =	vst v46  }
0x2bc: {  	[tilespmem:s18+$0x280] =	vst v2  }
0x2bd: {  	v2 =	vld [tilespmem:$0x1FEF0];
	_ =	sdelay $0x2  }
0x2be: {  	s9 =	sadd.s32 $0x3200, s4  }
0x2bf: {  	s11 =	sadd.s32 $0x3280, s4;
	s20 =	sor.u32 s17, s9  }
0x2c0: {  	s30 =	sor.u32 s17, s11;
	[tilespmem:s20+$0x0] =	vst v2  }
0x2c1: {  	[tilespmem:s30+$0x0] =	vst v43  }
0x2c2: {  	v2 =	vld [tilespmem:$0x1FF00];
	_ =	sdelay $0x2  }
0x2c3: {  	s25 =	sadd.s32 $0x3300, s4  }
0x2c4: {  	s12 =	sor.u32 s17, s25  }
0x2c5: {  	[tilespmem:s12+$0x0] =	vst v2  }
0x2c6: {  	v2 =	vld [tilespmem:$0x1FF10];
	_ =	sdelay $0x2  }
0x2c7: {  	s30 =	sadd.s32 $0x3380, s4  }
0x2c8: {  	s14 =	sor.u32 s17, s30  }
0x2c9: {  	[tilespmem:s14+$0x0] =	vst v2  }
0x2ca: {  	v2 =	vld [tilespmem:$0x1FF20];
	_ =	sdelay $0x1  }
0x2cb: {  	s5 =	sand.u32 $0x180, s19  }
0x2cc: {  	s19 =	sor.u32 $0x4200, s5  }
0x2cd: {  	s15 =	sor.u32 s17, s19  }
0x2ce: {  	[tilespmem:s15+$0x0] =	vst v2  }
0x2cf: {  	v15 =	vmul.f32 v15, v23;
	v2 =	vld [tilespmem:$0x1FF30]  }
0x2d0: {  	v36 =	vmul.f32 v63, v52;
	v63 =	vmul.f32 v10, v57;
	_ =	sdelay $0x1  }
0x2d1: {  	v51 =	vmul.f32 v63, v51;
	v15 =	vmul.f32 v9, v15  }
0x2d2: {  	v11 =	vmul.f32 v63, v11;
	v63 =	vmul.f32 v18, v22  }
0x2d3: {  	v22 =	vmul.f32 v45, v42;
	v42 =	vmul.f32 v15, v28;
	[tilespmem:s0+$0x380] =	vst v2  }
0x2d4: {  	v48 =	vmul.f32 v15, v32;
	v47 =	vmul.f32 v15, v30;
	v15 =	vld [tilespmem:$0x1FF40];
	_ =	sdelay $0x3  }
0x2d5: {  	s3 =	sor.u32 s28, s3  }
0x2d6: {  	[tilespmem:s3+$0x0] =	vst v15  }
0x2d7: {  	v15 =	vld [tilespmem:$0x1FF50];
	_ =	sdelay $0x3  }
0x2d8: {  	s8 =	sor.u32 s28, s8  }
0x2d9: {  	[tilespmem:s8+$0x0] =	vst v15  }
0x2da: {  	v15 =	vld [tilespmem:$0x1FF60];
	_ =	sdelay $0x2  }
0x2db: {  	v13 =	vmul.f32 v13, v25;
	v16 =	vmul.f32 v16, v21  }
0x2dc: {  	s10 =	sor.u32 s28, s10;
	v39 =	vmul.f32 v17, v39;
	v17 =	vmul.f32 v18, v61  }
0x2dd: {  	v14 =	vmul.f32 v14, v19;
	v61 =	vmul.f32 v10, v58;
	[tilespmem:s10+$0x0] =	vst v15  }
0x2de: {  	v50 =	vmul.f32 v17, v54;
	v57 =	vmul.f32 v17, v49;
	v15 =	vld [tilespmem:$0x1FF70]  }
0x2df: {  	v19 =	vmul.f32 v39, v9;
	v10 =	vpop (erf);
	v21 =	vmul.f32 v36, v9  }
0x2e0: {  	v13 =	vmul.f32 v9, v13;
	v25 =	vmul.f32 v11, v10  }
0x2e1: {  	v11 =	vpop (erf);
	v27 =	vmul.f32 v19, v32;
	v39 =	vmul.f32 v19, v28  }
0x2e2: {  	v36 =	vmul.f32 v21, v32;
	v17 =	vmul.f32 v50, v11;
	s17 =	sor.u32 s26, s1  }
0x2e3: {  	v18 =	vmul.f32 v57, v11;
	v20 =	vmul.f32 v11, v20;
	[tilespmem:s17+$0x0] =	vst v15  }
0x2e4: {  	v14 =	vmul.f32 v11, v14;
	v57 =	vmul.f32 v13, v32;
	v15 =	vld [tilespmem:$0x1FF80]  }
0x2e5: {  	v41 =	vmul.f32 v19, v30;
	v24 =	vmul.f32 v63, v11  }
0x2e6: {  	v63 =	vmul.f32 v13, v30;
	v35 =	vmul.f32 v19, v26  }
0x2e7: {  	v62 =	vmul.f32 v13, v26;
	v19 =	vmul.f32 v17, v34  }
0x2e8: {  	v3 =	vmov v33;
	s2 =	sor.u32 s28, s2;
	v13 =	vmul.f32 v17, v33;
	v33 =	vmul.f32 v18, v33  }
0x2e9: {  	v32 =	vmul.f32 v18, v34;
	v2 =	vmov v34;
	v34 =	vmul.f32 v18, v53;
	[tilespmem:s2+$0x0] =	vst v15  }
0x2ea: {  	v18 =	vmul.f32 v20, v2;
	v15 =	vmul.f32 v14, v2;
	v2 =	vld [tilespmem:$0x1FF90];
	_ =	sdelay $0x2  }
0x2eb: {  	s10 =	sor.u32 s7, s9  }
0x2ec: {  	s29 =	simm.s32 $0x4200;
	[dreg:$0x8] =	wrdreg s10  }
0x2ed: {  	[tilespmem:s29+$0x0] =	vst v2  }
0x2ee: {  	v2 =	vld [tilespmem:$0x1FFA0];
	_ =	sdelay $0x4  }
0x2ef: {  	v23 =	vmul.f32 v51, v10;
	v30 =	vmul.f32 v2, v27;
	v2 =	vld [tilespmem:$0x1FFB0]  }
0x2f0: {  	v45 =	vmul.f32 v61, v10;
	v22 =	vmul.f32 v10, v22  }
0x2f1: {  	v16 =	vmul.f32 v10, v16;
	v61 =	vmul.f32 v21, v26  }
0x2f2: {  	v50 =	vmul.f32 v21, v28;
	v58 =	vmul.f32 v25, v56  }
0x2f3: {  	v52 =	vmul.f32 v45, v55;
	v49 =	vmul.f32 v45, v31;
	s28 =	sor.u32 s28, s1  }
0x2f4: {  	v51 =	vmul.f32 v45, v29;
	v45 =	vmul.f32 v22, v55;
	[tilespmem:s28+$0x0] =	vst v2  }
0x2f5: {  	v54 =	vmul.f32 v22, v56;
	v21 =	vmul.f32 v20, v4;
	v2 =	vld [tilespmem:$0x1FFC0]  }
0x2f6: {  	v28 =	vmul.f32 v23, v29;
	v26 =	vmul.f32 v16, v31  }
0x2f7: {  	v12 =	vmul.f32 v17, v53;
	v40 =	vmul.f32 v23, v55  }
0x2f8: {  	v38 =	vmul.f32 v23, v56;
	v37 =	vmul.f32 v23, v31  }
0x2f9: {  	s22 =	simm.s32 $0x1600;
	v59 =	vmul.f32 v25, v31;
	v60 =	vmul.f32 v25, v29  }
0x2fa: {  	v46 =	vmul.f32 v22, v29;
	s18 =	sor.u32 s16, s11;
	s20 =	sor.u32 s16, s25;
	s4 =	sor.u32 s6, s13;
	v22 =	vmul.f32 v2, v27;
	v2 =	vld [tilespmem:$0x1FFD0]  }
0x2fb: {  	v25 =	vmul.f32 v17, v4;
	v23 =	vmul.f32 v24, v3;
	s26 =	sor.u32 s7, s13;
	s5 =	sor.u32 s6, s30;
	s1 =	sor.u32 s7, s30  }
0x2fc: {  	v17 =	vmul.f32 v20, v53;
	v44 =	vmul.f32 v16, v55;
	s12 =	sor.u32 s16, s13;
	s13 =	sor.u32 s16, s9;
	s14 =	sor.u32 s16, s30  }
0x2fd: {  	v29 =	vmul.f32 v24, v4;
	v24 =	vmul.f32 v24, v53;
	s16 =	sor.u32 s6, s11;
	s11 =	sor.u32 s7, s11;
	s15 =	sor.u32 s6, s25  }
0x2fe: {  	v43 =	vmul.f32 v16, v56;
	v16 =	vmul.f32 v14, v4;
	s25 =	sor.u32 s7, s25;
	s3 =	sor.u32 s7, s19;
	s17 =	sor.u32 s6, s9  }
0x2ff: {  	s9 =	simm.s32 $0x4;
	s2 =	sor.u32 s6, s19;
	v14 =	vmul.f32 v14, v3;
	s10 =	simm.s32 $0x80;
	v20 =	vmul.f32 v2, v27  }
.LBB2_4:
0x300: {  	s19 =	sand.u32 $0x40, s10;
	s21 =	sadd.s32 $0x200, s21;
	v3 =	vmul.f32 v9, v8;
	v10 =	vmul.f32 v10, v6  }
0x301: {  	[dreg:$0xb] =	wrdreg s11;
	v11 =	vmul.f32 v11, v7;
	[tilespmem:s24+$0x2200] =	vst v30;
	v27 =	vmul.f32 v41, v36;
	s11 =	sand.u32 $0x7FFFFC00, s21;
	s8 =	sor.u32 $0x30, s19  }
0x302: {  	[dreg:$0x9] =	wrdreg s3;
	v30 =	vmul.f32 v41, v50;
	[tilespmem:s24+$0x2280] =	vst v22;
	v22 =	vmul.f32 v41, v61;
	s3 =	sor.u32 s11, s8  }
0x303: {  	s6 =	sor.u32 $0x10, s19;
	v31 =	vmul.f32 v39, v57;
	[tilespmem:s24+$0x2300] =	vst v20;
	v20 =	vmul.f32 v39, v63;
	v56 =	vld [tilespmem:s3+$0x200]  }
0x304: {  	v55 =	vmul.f32 v39, v62;
	v41 =	vmul.f32 v35, v47;
	s0 =	sor.u32 s11, s6;
	[tilespmem:s31+$0x2200] =	vst v27;
	v57 =	vld [tilespmem:s3+$0x280]  }
0x305: {  	v49 =	vmul.f32 v38, v49;
	v44 =	vmul.f32 v28, v44;
	s30 =	sshrl.u32 s11, $0x2;
	v62 =	vld [tilespmem:s0+$0x200];
	[tilespmem:s24+$0x2400] =	vst v30  }
0x306: {  	[dreg:$0xc] =	wrdreg s2;
	v43 =	vmul.f32 v28, v43;
	v27 =	vmul.f32 v35, v48;
	s2 =	sadd.s32 $0x1200, s30;
	v53 =	vld [tilespmem:s0+$0x300];
	[tilespmem:s12+$0x280] =	vst v22  }
0x307: {  	[dreg:$0x6] =	wrdreg s21;
	v30 =	vmul.f32 v35, v42;
	v35 =	vmul.f32 v58, v40;
	v58 =	vld [tilespmem:s3+$0x300];
	s21 =	sor.u32 s8, s2;
	[tilespmem:s12+$0x300] =	vst v31  }
0x308: {  	v22 =	vmul.f32 v59, v40;
	v40 =	vmul.f32 v60, v40;
	v60 =	vld [tilespmem:s21+$0x0];
	[tilespmem:s12+$0x380] =	vst v20  }
0x309: {  	v26 =	vmul.f32 v28, v26;
	v31 =	vmul.f32 v38, v52;
	v52 =	vld [tilespmem:s0+$0x280];
	[tilespmem:s23+$0x2400] =	vst v49  }
0x30a: {  	v28 =	vmul.f32 v32, v25;
	v33 =	vmul.f32 v33, v25;
	v61 =	vld [tilespmem:s21+$0x80];
	[tilespmem:s13+$0x0] =	vst v55  }
0x30b: {  	v20 =	vmul.f32 v38, v51;
	v38 =	vmul.f32 v37, v45;
	[tilespmem:s23+$0x2200] =	vst v35  }
0x30c: {  	s7 =	sor.u32 $0x20, s19;
	v51 =	vmul.f32 v37, v54;
	v37 =	vmul.f32 v37, v46;
	v46 =	vld [tilespmem:s3+$0x380];
	[tilespmem:s18+$0x0] =	vst v27;
	v63 =	vand.u32 $0x7F, v57  }
0x30d: {  	[dreg:$0xd] =	wrdreg s25;
	s25 =	sor.u32 s11, s7;
	v47 =	vld [tilespmem:s3+$0x400];
	[tilespmem:s23+$0x2280] =	vst v22;
	v27 =	vand.u32 $0xFFFFFF80, v57;
	v39 =	vshll.u32 v56, $0x7;
	v56 =	vand.u32 $0xFFFFFF80, v58  }
0x30e: {  	v55 =	vld [tilespmem:s25+$0x300];
	[tilespmem:s20+$0x0] =	vst v41;
	v27 =	vadd.s32 v39, v27;
	v57 =	vand.u32 $0x7F, v58;
	v58 =	vadd.s32 v39, v56  }
0x30f: {  	s28 =	sor.u32 s19, s11;
	v22 =	vld [tilespmem:s25+$0x280];
	[tilespmem:s14+$0x0] =	vst v30;
	v30 =	vor.u32 v63, v27;
	v27 =	vand.u32 $0xFFFFFF80, v61;
	v59 =	vshll.u32 v60, $0x7  }
0x310: {  	s24 =	smov.u32 s28;
	[tilespmem:s23+$0x2300] =	vst v40;
	v60 =	vld [tilespmem:s25+$0x200];
	v61 =	vand.u32 $0x7F, v61;
	v54 =	vand.u32 $0xFFFFFF80, v52;
	v41 =	vor.u32 v57, v58  }
0x311: {  	[tilespmem:s23+$0x2380] =	vst v31;
	v31 =	vld [tilespmem:s24+$0x200];
	v36 =	vadd.s32 v59, v27;
	v27 =	vshll.u32 v62, $0x7;
	v62 =	vand.u32 $0xFFFFFF80, v46  }
0x312: {  	s31 =	sor.u32 s19, s2;
	s13 =	rddreg [dreg:$0x7];
	[tilespmem:s4+$0x280] =	vst v20;
	v59 =	vand.u32 $0xFFFFFF80, v53;
	v63 =	vor.u32 v61, v36;
	v61 =	vand.u32 $0x7F, v53;
	v53 =	vld [tilespmem:s24+$0x300]  }
0x313: {  	v56 =	vand.u32 $0x7F, v46;
	[tilespmem:s13+$0x2200] =	vst v28;
	v42 =	vadd.s32 v39, v62;
	v57 =	vadd.s32 v27, v54;
	v54 =	vld [tilespmem:s31+$0x0]  }
0x314: {  	v25 =	vmul.f32 v34, v25;
	s30 =	sor.u32 s6, s2;
	s2 =	sor.u32 s7, s2;
	[tilespmem:s13+$0x2280] =	vst v33;
	v20 =	vadd.s32 v27, v59;
	v42 =	vor.u32 v56, v42;
	v56 =	vld [tilespmem:s31+$0x80]  }
0x315: {  	v23 =	vmul.f32 v19, v23;
	v58 =	vand.u32 $0xFFFFFF80, v47;
	v20 =	vor.u32 v61, v20;
	v61 =	vld [tilespmem:s2+$0x0]  }
0x316: {  	v24 =	vmul.f32 v19, v24;
	v47 =	vand.u32 $0x7F, v47;
	v39 =	vadd.s32 v39, v58;
	v35 =	vld.idx.msk [tilespmem:v30+s22+$0x0], $0xffff  }
0x317: {  	v18 =	vmul.f32 v13, v18;
	[tilespmem:s4+$0x300] =	vst v38;
	v39 =	vor.u32 v47, v39;
	v36 =	vld.idx.msk [tilespmem:v41+s22+$0x0], $0xffff  }
0x318: {  	v2 =	vmul.f32 v12, v16;
	v62 =	vand.u32 $0xFFFFFF80, v22;
	[tilespmem:s13+$0x2300] =	vst v25;
	v30 =	vshll.u32 v60, $0x7;
	v45 =	vld.idx.msk [tilespmem:v63+s22+$0x0], $0xffff  }
0x319: {  	v15 =	vmul.f32 v12, v15;
	v9 =	vmul.f32 v12, v14;
	[tilespmem:s4+$0x380] =	vst v51;
	v47 =	vadd.s32 v30, v62;
	v62 =	vld [tilespmem:s2+$0x80]  }
0x31a: {  	[tilespmem:s17+$0x0] =	vst v37;
	v28 =	vmul.f32 v19, v29;
	v40 =	vand.u32 $0x7F, v55;
	v22 =	vand.u32 $0x7F, v22;
	v37 =	vld.idx.msk [tilespmem:v42+s22+$0x0], $0xffff  }
0x31b: {  	[dreg:$0xa] =	wrdreg s1;
	s1 =	sor.u32 s11, s10;
	[tilespmem:s16+$0x0] =	vst v44;
	v60 =	vand.u32 $0x7F, v52;
	v52 =	vand.u32 $0xFFFFFF80, v55;
	v31 =	vshll.u32 v31, $0x7;
	v63 =	vld [tilespmem:s24+$0x280]  }
0x31c: {  	s1 =	sor.u32 $0x180, s1;
	v49 =	vadd.s32 v30, v52;
	v44 =	vor.u32 v60, v57;
	v22 =	vor.u32 v22, v47;
	v38 =	vld.idx.msk [tilespmem:v39+s22+$0x0], $0xffff  }
0x31d: {  	[tilespmem:s15+$0x0] =	vst v43;
	v29 =	vand.u32 $0xFFFFFF80, v53;
	v42 =	vld [tilespmem:s1+$0x200];
	v57 =	vadd.f32 v36, v35;
	v58 =	vsub.f32 $0.0e+00, v45  }
0x31e: {  	[tilespmem:s5+$0x0] =	vst v26;
	v40 =	vor.u32 v40, v49;
	v25 =	vshll.u32 v54, $0x7;
	v29 =	vadd.s32 v31, v29  }
0x31f: {  	[tilespmem:s13+$0x2380] =	vst v28;
	v28 =	vand.u32 $0x7F, v56;
	v41 =	vadd.f32 v37, v57;
	v43 =	vmul.f32 $1.442695020e+00, v58  }
0x320: {  	v59 =	vld [tilespmem:s30+$0x0];
	v32 =	vand.u32 $0x7F, v62;
	v55 =	vand.u32 $0xFFFFFF80, v63;
	v26 =	vand.u32 $0x7F, v63  }
0x321: {  	v60 =	vld [tilespmem:s30+$0x80];
	v34 =	vadd.s32 v31, v55;
	v41 =	vadd.f32 v38, v41;
	(erf) = vpow2.f32 v43  }
0x322: {  	v63 =	vand.u32 $0xFFFFFF80, v42;
	v33 =	vor.u32 v26, v34;
	v26 =	vand.u32 $0x7F, v53  }
0x323: {  	v51 =	vld [tilespmem:s24+$0x400];
	v29 =	vor.u32 v26, v29;
	v26 =	vand.u32 $0xFFFFFF80, v56;
	v43 =	vsub.f32 v41, v35  }
0x324: {  	s23 =	smov.u32 s0;
	v46 =	vld [tilespmem:s25+$0x380];
	v34 =	vshll.u32 v61, $0x7;
	v54 =	vadd.s32 v31, v63;
	v25 =	vadd.s32 v25, v26  }
0x325: {  	v47 =	vld [tilespmem:s23+$0x400];
	v26 =	vshll.u32 v59, $0x7;
	v48 =	vsub.f32 v41, v36;
	v49 =	vmul.f32 v43, v41  }
0x326: {  	v50 =	vld [tilespmem:s25+$0x400];
	v45 =	vor.u32 v28, v25;
	v25 =	vand.u32 $0xFFFFFF80, v60;
	v52 =	vsub.f32 v41, v37  }
0x327: {  	v39 =	vld [tilespmem:s23+$0x380];
	v26 =	vadd.s32 v26, v25;
	v25 =	vand.u32 $0xFFFFFF80, v62;
	v53 =	vmul.f32 v49, v48  }
0x328: {  	v63 =	vand.u32 $0x7F, v42;
	v28 =	vand.u32 $0x7F, v60;
	v34 =	vadd.s32 v34, v25;
	v25 =	vld.idx.msk [tilespmem:v44+s22+$0x0], $0xffff  }
0x329: {  	v56 =	vsub.f32 v41, v38;
	v55 =	vor.u32 v28, v26;
	v26 =	vld.idx.msk [tilespmem:v20+s22+$0x0], $0xffff;
	v57 =	vmul.f32 v53, v52  }
0x32a: {  	v58 =	vand.u32 $0x7F, v47;
	v59 =	vand.u32 $0x7F, v46;
	v28 =	vand.u32 $0xFFFFFF80, v46;
	v20 =	vld.idx.msk [tilespmem:v22+s22+$0x0], $0xffff;
	v61 =	vpop (erf)  }
0x32b: {  	v22 =	vld.idx.msk [tilespmem:v40+s22+$0x0], $0xffff;
	v32 =	vor.u32 v32, v34;
	v40 =	vmul.f32 v57, v56;
	v34 =	vadd.f32 $1.000000000e+00, v61  }
0x32c: {  	v60 =	vand.u32 $0xFFFFFF80, v39;
	v39 =	vand.u32 $0x7F, v39;
	v62 =	vadd.s32 v30, v28;
	v28 =	vld.idx.msk [tilespmem:v33+s22+$0x0], $0xffff  }
0x32d: {  	v44 =	vadd.s32 v27, v60;
	v33 =	vor.u32 v63, v54;
	v45 =	vld.idx.msk [tilespmem:v45+s22+$0x0], $0xffff;
	v60 =	vmul.f32 v34, v40  }
0x32e: {  	v39 =	vor.u32 v39, v44;
	v63 =	vand.u32 $0xFFFFFF80, v51;
	v51 =	vand.u32 $0x7F, v51  }
0x32f: {  	v42 =	vor.u32 v59, v62;
	v62 =	vand.u32 $0xFFFFFF80, v50;
	v46 =	vld.idx.msk [tilespmem:v55+s22+$0x0], $0xffff;
	(erf) = vrcp.f32 v60  }
0x330: {  	v31 =	vadd.s32 v31, v63;
	v50 =	vand.u32 $0x7F, v50;
	v59 =	vld.idx.msk [tilespmem:v32+s22+$0x0], $0xffff;
	v61 =	vand.u32 $0xFFFFFF80, v47  }
0x331: {  	v30 =	vadd.s32 v30, v62;
	v27 =	vadd.s32 v27, v61;
	v54 =	vmul.f32 v34, v56  }
0x332: {  	v45 =	vsub.f32 $0.0e+00, v45;
	v60 =	vor.u32 v51, v31;
	v31 =	vor.u32 v58, v27  }
0x333: {  	v61 =	vor.u32 v50, v30;
	v30 =	vld.idx.msk [tilespmem:v39+s22+$0x0], $0xffff;
	v34 =	vmul.f32 v34, v57;
	v63 =	vmul.f32 v54, v52  }
0x334: {  	v46 =	vsub.f32 $0.0e+00, v46;
	v45 =	vmul.f32 $1.442695020e+00, v45;
	v27 =	vld.idx.msk [tilespmem:v42+s22+$0x0], $0xffff;
	[tilespmem:s13+$0x2400] =	vst v23;
	v23 =	vmul.f32 v13, v21  }
0x335: {  	v47 =	vsub.f32 $0.0e+00, v59;
	v13 =	vmul.f32 v13, v17;
	v58 =	vmul.f32 v63, v48  }
0x336: {  	v62 =	vadd.f32 v26, v25;
	v46 =	vmul.f32 $1.442695020e+00, v46;
	v59 =	vmul.f32 v63, v49  }
0x337: {  	v50 =	vadd.f32 v22, v20;
	[tilespmem:s26+$0x280] =	vst v24;
	v47 =	vmul.f32 $1.442695020e+00, v47;
	v43 =	vmul.f32 v58, v43;
	v19 =	vld.idx.msk [tilespmem:v31+s22+$0x0], $0xffff  }
0x338: {  	v24 =	vmul.f32 v58, v41;
	v21 =	vld.idx.msk [tilespmem:v60+s22+$0x0], $0xffff;
	v60 =	vadd.f32 v30, v62;
	v62 =	vmul.f32 v54, v53;
	v49 =	vpop (erf)  }
0x339: {  	v31 =	vld.idx.msk [tilespmem:v61+s22+$0x0], $0xffff;
	(erf) = vpow2.f32 v45;
	v61 =	vmul.f32 v43, v49  }
0x33a: {  	v63 =	vadd.f32 v27, v50;
	v57 =	vmul.f32 v24, v49;
	v50 =	vmul.f32 v59, v49  }
0x33b: {  	v51 =	vmul.f32 v49, v62;
	(erf) = vpow2.f32 v46  }
0x33c: {  	v52 =	vmul.f32 v49, v34;
	(erf) = vpow2.f32 v47  }
0x33d: {  	v29 =	vld.idx.msk [tilespmem:v29+s22+$0x0], $0xffff;
	v58 =	vmul.f32 v61, v35;
	v53 =	vmul.f32 v61, v36  }
0x33e: {  	v32 =	vld.idx.msk [tilespmem:v33+s22+$0x0], $0xffff;
	v54 =	vmul.f32 v61, v37;
	v59 =	vmul.f32 v57, v36  }
0x33f: {  	[tilespmem:s26+$0x300] =	vst v23;
	v23 =	vadd.f32 v19, v60;
	v55 =	vmul.f32 v61, v38;
	v60 =	vmul.f32 v57, v37  }
0x340: {  	v24 =	vadd.f32 v31, v63;
	v62 =	vmul.f32 v57, v38;
	v61 =	vmul.f32 v59, v58  }
0x341: {  	v34 =	vsub.f32 v23, v25;
	v63 =	vmul.f32 v60, v58;
	v60 =	vmul.f32 v50, v35  }
0x342: {  	v56 =	vadd.f32 v29, v28;
	v43 =	vmul.f32 v62, v58;
	v59 =	vmul.f32 v49, v40  }
0x343: {  	v42 =	vsub.f32 v23, v26;
	v40 =	vmul.f32 v34, v23;
	[tilespmem:s3+$0x2200] =	vst v61;
	v61 =	vmul.f32 v50, v37  }
0x344: {  	v48 =	vadd.f32 v32, v56;
	[tilespmem:s3+$0x2280] =	vst v63;
	v62 =	vmul.f32 v53, v60;
	v63 =	vmul.f32 v50, v38  }
0x345: {  	v37 =	vmul.f32 v52, v37;
	v45 =	vmul.f32 v40, v42  }
0x346: {  	[tilespmem:s26+$0x380] =	vst v18;
	v33 =	vadd.f32 v21, v48;
	v60 =	vmul.f32 v53, v61;
	v61 =	vmul.f32 v51, v35  }
0x347: {  	v39 =	vsub.f32 v24, v20;
	[tilespmem:s3+$0x2380] =	vst v62;
	v48 =	vmul.f32 v53, v63;
	v62 =	vmul.f32 v51, v36  }
0x348: {  	s21 =	sadd.s32 $0x3300, s11;
	s14 =	smov.u32 s25;
	s15 =	sadd.s32 $0x2200, s11;
	v41 =	vsub.f32 v33, v28;
	[tilespmem:s3+$0x2300] =	vst v43;
	v51 =	vmul.f32 v51, v38;
	v35 =	vmul.f32 v52, v35  }
0x349: {  	s28 =	sor.u32 s8, s21;
	[dreg:$0x7] =	wrdreg s14;
	s16 =	sor.u32 s8, s15;
	v44 =	vsub.f32 v33, v29;
	v36 =	vmul.f32 v52, v36;
	[tilespmem:s3+$0x2400] =	vst v60;
	v63 =	vmul.f32 v54, v61  }
0x34a: {  	s12 =	sor.u32 s19, s15;
	s0 =	sor.u32 s7, s15;
	s25 =	sand.u32 $0x180, s10;
	v43 =	vsub.f32 v24, v22;
	v58 =	vmul.f32 v55, v37;
	v56 =	vmul.f32 v54, v62;
	[tilespmem:s16+$0x280] =	vst v48  }
0x34b: {  	s31 =	smov.u32 s1;
	s2 =	sadd.s32 $0x3200, s11;
	s30 =	sor.u32 $0x4200, s25;
	v38 =	vsub.f32 v23, v30;
	v57 =	vmul.f32 v54, v51;
	v60 =	vmul.f32 v41, v33;
	[tilespmem:s16+$0x300] =	vst v63  }
0x34c: {  	s17 =	sor.u32 s8, s2;
	s1 =	sor.u32 s6, s30;
	v51 =	vsub.f32 v33, v32;
	s3 =	sadd.s32 $0x3280, s11;
	v35 =	vmul.f32 v55, v35;
	v36 =	vmul.f32 v55, v36;
	[tilespmem:s16+$0x380] =	vst v56  }
0x34d: {  	s13 =	sor.u32 s19, s2;
	s11 =	sadd.s32 $0x3380, s11;
	v49 =	vmul.f32 v45, v38;
	v48 =	vsub.f32 v23, v19;
	s20 =	sor.u32 s8, s3;
	v47 =	vmul.f32 v60, v44;
	v62 =	vpop (erf);
	[tilespmem:s17+$0x0] =	vst v57  }
0x34e: {  	v37 =	vsub.f32 v33, v21;
	s18 =	sor.u32 s19, s3;
	s5 =	sor.u32 s8, s11;
	s14 =	sor.u32 s19, s11;
	v55 =	vadd.f32 $1.000000000e+00, v62;
	[tilespmem:s20+$0x0] =	vst v35;
	v35 =	vmul.f32 v39, v24  }
0x34f: {  	v53 =	vsub.f32 v24, v27;
	s8 =	sor.u32 s8, s30;
	s16 =	sor.u32 s6, s3;
	s3 =	sor.u32 s7, s3;
	v18 =	vmul.f32 v49, v48;
	v17 =	vmul.f32 v47, v51;
	v63 =	vpop (erf);
	[tilespmem:s28+$0x0] =	vst v36  }
0x350: {  	s17 =	sor.u32 s6, s2;
	s2 =	sor.u32 s7, s2;
	s20 =	sor.u32 s19, s21;
	v12 =	vadd.f32 $1.000000000e+00, v63;
	v14 =	vmul.f32 v55, v37;
	[tilespmem:s5+$0x0] =	vst v58;
	v46 =	vmul.f32 v35, v43  }
0x351: {  	v50 =	vsub.f32 v24, v31;
	s19 =	sor.u32 s7, s21;
	s28 =	rddreg [dreg:$0x8];
	v16 =	vmul.f32 v17, v37;
	v17 =	vmul.f32 v55, v17;
	[tilespmem:s8+$0x0] =	vst v59;
	s8 =	sor.u32 s7, s11  }
0x352: {  	v6 =	vmov v18;
	[tilespmem:s28+$0x0] =	vst v13;
	s7 =	sor.u32 s7, s30;
	s30 =	smov.u32 s2;
	s2 =	rddreg [dreg:$0xb];
	v18 =	vmul.f32 v12, v48;
	v52 =	vmul.f32 v46, v53  }
0x353: {  	s5 =	sor.u32 s6, s11;
	v13 =	vpop (erf);
	s11 =	smov.u32 s3;
	s3 =	rddreg [dreg:$0xd];
	v57 =	vmul.f32 v12, v6;
	v12 =	vmul.f32 v12, v49;
	[tilespmem:s2+$0x0] =	vst v2  }
0x354: {  	s28 =	rddreg [dreg:$0xa];
	v13 =	vadd.f32 $1.000000000e+00, v13;
	[tilespmem:s3+$0x0] =	vst v15;
	v15 =	vmul.f32 v55, v16;
	v61 =	vmul.f32 v52, v50  }
0x355: {  	[tilespmem:s28+$0x0] =	vst v9;
	v9 =	vmul.f32 v14, v51;
	v14 =	vmul.f32 v14, v47  }
0x356: {  	s25 =	smov.u32 s19;
	s19 =	rddreg [dreg:$0xc];
	(erf) = vrcp.f32 v15;
	v15 =	vmul.f32 v13, v50  }
0x357: {  	[dreg:$0x8] =	wrdreg s30;
	v8 =	vmovc v16;
	v7 =	vmov v61;
	(erf) = vrcp.f32 v57;
	v16 =	vmul.f32 v9, v44  }
0x358: {  	[tilespmem:s19+$0x0] =	vst v10;
	s30 =	rddreg [dreg:$0x9];
	v36 =	vmul.f32 v9, v60;
	v10 =	vmul.f32 v13, v7  }
0x359: {  	[tilespmem:s30+$0x0] =	vst v11;
	v11 =	vmul.f32 v15, v53;
	v15 =	vmul.f32 v15, v46  }
0x35a: {  	(erf) = vrcp.f32 v10;
	v10 =	vmul.f32 v18, v38  }
0x35b: {  	v13 =	vmul.f32 v13, v52;
	v59 =	vmul.f32 v16, v41  }
0x35c: {  	v58 =	vmul.f32 v11, v43;
	v9 =	vmul.f32 v10, v42  }
0x35d: {  	v16 =	vmul.f32 v16, v33;
	v35 =	vmul.f32 v11, v35  }
0x35e: {  	v18 =	vmul.f32 v18, v45;
	v61 =	vmul.f32 v58, v39  }
0x35f: {  	v24 =	vmul.f32 v58, v24;
	v62 =	vmul.f32 v10, v40  }
0x360: {  	v60 =	vmul.f32 v9, v34;
	v23 =	vmul.f32 v9, v23;
	v9 =	vpop (erf)  }
0x361: {  	v38 =	vmul.f32 v59, v9;
	v16 =	vmul.f32 v16, v9  }
0x362: {  	v10 =	vpop (erf);
	v63 =	vmul.f32 v36, v9;
	v14 =	vmul.f32 v9, v14  }
0x363: {  	v17 =	vmul.f32 v9, v17;
	v33 =	vmul.f32 v60, v10  }
0x364: {  	v23 =	vmul.f32 v23, v10;
	v43 =	vmul.f32 v62, v10  }
0x365: {  	v18 =	vmul.f32 v10, v18;
	v12 =	vmul.f32 v10, v12  }
0x366: {  	v55 =	vmul.f32 v38, v28;
	v41 =	vmul.f32 v38, v29  }
0x367: {  	s29 =	sadd.s32 $0x40, s29;
	v39 =	vmul.f32 v38, v32;
	v2 =	vmul.f32 v16, v29  }
0x368: {  	[tilespmem:s29+$0x0] =	vst v3;
	v3 =	vmul.f32 v16, v32;
	v4 =	vmul.f32 v16, v21  }
0x369: {  	v36 =	vmul.f32 v63, v28;
	v50 =	vmul.f32 v63, v32  }
0x36a: {  	v57 =	vmul.f32 v14, v28;
	v62 =	vmul.f32 v14, v21  }
0x36b: {  	v11 =	vpop (erf);
	v48 =	vmul.f32 v17, v28;
	v47 =	vmul.f32 v17, v29  }
0x36c: {  	v42 =	vmul.f32 v17, v32;
	v34 =	vmul.f32 v61, v11  }
0x36d: {  	v24 =	vmul.f32 v24, v11;
	v53 =	vmul.f32 v35, v11  }
0x36e: {  	v15 =	vmul.f32 v11, v15;
	v56 =	vmul.f32 v11, v13  }
0x36f: {  	v35 =	vmul.f32 v38, v21;
	v61 =	vmul.f32 v63, v21  }
0x370: {  	v63 =	vmul.f32 v14, v29;
	v40 =	vmul.f32 v33, v25  }
0x371: {  	v38 =	vmul.f32 v33, v26;
	v37 =	vmul.f32 v33, v30  }
0x372: {  	v28 =	vmul.f32 v33, v19;
	v58 =	vmul.f32 v23, v26  }
0x373: {  	v59 =	vmul.f32 v23, v30;
	v60 =	vmul.f32 v23, v19  }
0x374: {  	v52 =	vmul.f32 v43, v25;
	v49 =	vmul.f32 v43, v30  }
0x375: {  	v51 =	vmul.f32 v43, v19;
	v45 =	vmul.f32 v18, v25  }
0x376: {  	v54 =	vmul.f32 v18, v26;
	v46 =	vmul.f32 v18, v19  }
0x377: {  	v44 =	vmul.f32 v12, v25;
	v43 =	vmul.f32 v12, v26  }
0x378: {  	v26 =	vmul.f32 v12, v30;
	v30 =	vmul.f32 v2, v55  }
0x379: {  	v25 =	vmul.f32 v34, v20;
	v19 =	vmul.f32 v34, v22  }
0x37a: {  	v13 =	vmul.f32 v34, v27;
	v12 =	vmul.f32 v34, v31  }
0x37b: {  	s9 =	sadd.s32 $0x4, s9;
	v32 =	vmul.f32 v24, v22;
	v33 =	vmul.f32 v24, v27  }
0x37c: {  	p0 =	slt.u32 s9, $0x1C;
	v34 =	vmul.f32 v24, v31;
	v29 =	vmul.f32 v53, v20  }
.Ltmp1:
0x37d: {  	v23 =	vmul.f32 v53, v27;
	v24 =	vmul.f32 v53, v31;
	(pc) =	sbr.rel @p0 .LBB2_4-.Ltmp1, $4  }
0x37e: {  	v21 =	vmul.f32 v15, v20;
	v18 =	vmul.f32 v15, v22  }
0x37f: {  	s4 =	sor.u32 s6, s15;
	s15 =	sor.u32 s6, s21;
	v17 =	vmul.f32 v15, v31;
	v16 =	vmul.f32 v56, v20  }
0x380: {  	s10 =	sadd.s32 $0x40, s10;
	s26 =	smov.u32 s0;
	s21 =	rddreg [dreg:$0x6];
	v15 =	vmul.f32 v56, v22;
	v14 =	vmul.f32 v56, v27  }
0x381: {  	s2 =	smov.u32 s1;
	s1 =	smov.u32 s8;
	s3 =	smov.u32 s7;
	v22 =	vmul.f32 v3, v55;
	v20 =	vmul.f32 v4, v55  }
0x382: {  	[tilespmem:s24+$0x2200] =	vst v30  }
0x383: {  	v2 =	vmul.f32 v41, v36;
	[tilespmem:s24+$0x2280] =	vst v22  }
0x384: {  	v3 =	vmul.f32 v41, v50;
	[tilespmem:s24+$0x2300] =	vst v20  }
0x385: {  	[tilespmem:s31+$0x2200] =	vst v2;
	v2 =	vmul.f32 v41, v61  }
0x386: {  	v4 =	vmul.f32 v39, v63;
	[tilespmem:s24+$0x2400] =	vst v3  }
0x387: {  	v3 =	vmul.f32 v39, v57;
	[tilespmem:s12+$0x280] =	vst v2  }
0x388: {  	v2 =	vmul.f32 v39, v62;
	[tilespmem:s12+$0x380] =	vst v4  }
0x389: {  	v4 =	vmul.f32 v60, v40;
	[tilespmem:s12+$0x300] =	vst v3  }
0x38a: {  	v3 =	vmul.f32 v35, v48;
	[tilespmem:s13+$0x0] =	vst v2  }
0x38b: {  	v2 =	vmul.f32 v35, v47;
	[tilespmem:s23+$0x2300] =	vst v4  }
0x38c: {  	[tilespmem:s18+$0x0] =	vst v3;
	v3 =	vmul.f32 v35, v42  }
0x38d: {  	[tilespmem:s20+$0x0] =	vst v2;
	v2 =	vmul.f32 v58, v40  }
0x38e: {  	[tilespmem:s14+$0x0] =	vst v3;
	v3 =	vmul.f32 v59, v40  }
0x38f: {  	[tilespmem:s23+$0x2200] =	vst v2;
	v2 =	vmul.f32 v38, v52  }
0x390: {  	[tilespmem:s23+$0x2280] =	vst v3;
	v3 =	vmul.f32 v38, v49  }
0x391: {  	v4 =	vmul.f32 v38, v51;
	[tilespmem:s23+$0x2380] =	vst v2  }
0x392: {  	v2 =	vmul.f32 v37, v45;
	[tilespmem:s23+$0x2400] =	vst v3  }
0x393: {  	v3 =	vmul.f32 v37, v54;
	[tilespmem:s4+$0x280] =	vst v4  }
0x394: {  	v4 =	vmul.f32 v37, v46;
	[tilespmem:s4+$0x300] =	vst v2  }
0x395: {  	v2 =	vmul.f32 v28, v44;
	[tilespmem:s4+$0x380] =	vst v3  }
0x396: {  	v3 =	vmul.f32 v28, v43;
	[tilespmem:s17+$0x0] =	vst v4  }
0x397: {  	[tilespmem:s16+$0x0] =	vst v2;
	v2 =	vmul.f32 v28, v26  }
0x398: {  	[tilespmem:s15+$0x0] =	vst v3  }
0x399: {  	v3 =	vmul.f32 v32, v25;
	[tilespmem:s5+$0x0] =	vst v2  }
0x39a: {  	v2 =	vmul.f32 v33, v25;
	s0 =	rddreg [dreg:$0x7]  }
0x39b: {  	v4 =	vmul.f32 v34, v25;
	[tilespmem:s0+$0x2200] =	vst v3  }
0x39c: {  	v3 =	vmul.f32 v19, v29;
	[tilespmem:s0+$0x2280] =	vst v2  }
0x39d: {  	[tilespmem:s0+$0x2300] =	vst v4;
	v2 =	vmul.f32 v19, v23  }
0x39e: {  	[tilespmem:s0+$0x2380] =	vst v3;
	v3 =	vmul.f32 v19, v24  }
0x39f: {  	[tilespmem:s0+$0x2400] =	vst v2;
	v2 =	vmul.f32 v13, v21  }
0x3a0: {  	[tilespmem:s26+$0x280] =	vst v3;
	v3 =	vmul.f32 v13, v18  }
0x3a1: {  	[tilespmem:s26+$0x300] =	vst v2  }
0x3a2: {  	v2 =	vmul.f32 v13, v17;
	[tilespmem:s26+$0x380] =	vst v3  }
0x3a3: {  	v3 =	vmul.f32 v12, v16;
	s0 =	rddreg [dreg:$0x8]  }
0x3a4: {  	[tilespmem:s0+$0x0] =	vst v2;
	v2 =	vmul.f32 v12, v15  }
0x3a5: {  	[tilespmem:s11+$0x0] =	vst v3;
	v3 =	vmul.f32 v9, v8  }
0x3a6: {  	s22 =	sadd.s32 $0x40, s29;
	[tilespmem:s25+$0x0] =	vst v2;
	v2 =	vmul.f32 v10, v6  }
0x3a7: {  	[tilespmem:s22+$0x0] =	vst v3;
	v3 =	vmul.f32 v12, v14  }
0x3a8: {  	[tilespmem:s2+$0x0] =	vst v2;
	v2 =	vmul.f32 v11, v7  }
0x3a9: {  	[tilespmem:s1+$0x0] =	vst v3  }
0x3aa: {  	s24 =	simm.s32 $0x20000;
	s23 =	simm.s32 $0x1000;
	[tilespmem:s3+$0x0] =	vst v2  }
0x3ab: {  	s26 =	simm.s32 $0x4;
	s25 =	simm.s32 $0x2200;
	s0 =	rddreg [dreg:$0x10]  }
0x3ac: {  	[hbm4b:s0+s23] =	stream.strided.scatter [tilespmem:s25], [sflag:$0x4], $0x2000, s24, s23, $0x38;
	[tilespmem:$0x4400] =	vst v63  }
0x3ad: {  	_ =	swait.ge [sflag:s26], $0x2000  }
0x3ae: {  	s8 =	simm.s32 $0x0;
	[sflag:s26] =	ssyncset.done $0x0  }
0x3af: {  	s29 =	simm.s32 $0x4200;
	s28 =	rddreg [dreg:$0x11];
	[sflag:s26] =	ssyncadd.s32 $0xFFFFE000  }
0x3b0: {  	[hbm4b:s28+s8] =	stream.linear.scatter [tilespmem:s29], [sflag:$0x4], $0x200, $0x38;
	[tilespmem:$0x4400] =	vst v63  }
0x3b1: {  	_ =	swait.ge [sflag:s26], $0x200  }
0x3b2: {  	s30 =	rddreg [dreg:$0x13]  }
0x3b3: {  	s31 =	rddreg [dreg:$0x12];
	v4 =	vld [tilespmem:$0x1FFF0];
	s2 =	sadd.s32 $0x1, s30  }
0x3b4: {  	v3 =	vld [tilespmem:$0x1FFE0];
	p0 =	sne.s32 s2, s31  }
.Ltmp2:
0x3b5: {  	_ = 	snop;
	(pc) =	sbr.rel @p0 .LBB2_1-.Ltmp2, $3  }
0x3b6: {  	_ =	sdelay $0x1  }
0x3b7: {  	v2 =	vlaneseq.u32;
	[sflag:s26] =	ssyncset.done $0x0  }
0x3b8: {  	s11 =	simm.s32 $0x1600;
	[sflag:s26] =	ssyncadd.s32 $0xFFFFFE00  }
0x3b9: {  	_ =	sfence.sel $0x180000  }
0x3ba: {  	[bflag:$0x0] =	sbarrier.arrive $0xFFFF  }
0x3bb: {  	_ =	strace $0x90000047  }
0x3bc: {  	s0 =	stileid.u32;
	[bflag:$0x2] =	sbarrier.arrive $0xFFFF  }
0x3bd: {  	p0 =	sne.s32 s0, $0x0;
	s0 =	rddreg [dreg:$0x5]  }
0x3be: {  	s0 =	sadd.s32 @!p0 $0x100000, s0  }
0x3bf: {  	[sflag:s0] =	ssyncadd.tile.s32 @!p0 $0x1;
	_ =	shalt  }
.Lfunc_end2:
_tile_overlayer_lowered:
.L_overlay_start_2:
0x3c0: {  	(tag) =	ssettag $0x2  }
0x3c1: {  	s0 =	rddreg [dreg:$0x0];
	s2 =	stileid.u32  }
0x3c2: {  	s1 =	rddreg [dreg:$0x1];
	p0 =	sne.s32 s2, $0x0  }
0x3c3: {  	s3 =	rddreg [dreg:$0x2];
	[bflag:$0x3] =	sbarrier.arrive $0xFFFF;
	s2 =	simm.s32 @!p0 $0x1C04  }
0x3c4: {  	[timem:s3], [sflag:s2] =	dma.local @!p0 [hbm:s0], s1  }
0x3c5: {  	s0 =	simm.s32 @!p0 $0x4  }
0x3c6: {  	_ =	swait.ge @!p0 [sflag:s0], s1  }
0x3c7: {  	s1 =	ssub.s32 @!p0 $0x0, s1;
	[sflag:s0] =	ssyncset.done @!p0 $0x0  }
0x3c8: {  	[sflag:s0] =	ssyncadd.s32 @!p0 s1  }
0x3c9: {  	[bflag:$0x3] =	sbarrier.arrive $0xFFFF  }
0x3ca: {  	_ =	shalt  }

</sc_bundles>
